<compile_context>
chip_gen: v7x
topology: tpu7x:2x2x1
jax: 0.10.2.dev20260603
libtpu: 0.0.44.dev20260713+nightly
codegen_flags: <defaults>
</compile_context>

<pallas_src>
import jax
import jax.numpy as jnp
from jax import lax
from jax.experimental import pallas as pl
from jax.experimental.pallas import tpu as pltpu
from jax.experimental.pallas import tpu_sc as plsc

D_SUB = 256
D_MODEL = 1024
NC, NS = 2, 16
NW = NC * NS
B_TOTAL = 4 * 8192
PER_W = B_TOTAL // NW
C = 64
NCHUNK = PER_W // C


def _sc_body(tpos, cpos, epos, dpos, tt, ct, et, dt_, out,
             ia0, ia1, ia2, ia3, b0, b1, b2, b3,
             g0, g1, g2, g3, w0, w1, w2, w3, h0, h1, h2, h3, slab):
    wid = lax.axis_index("s") * NC + lax.axis_index("c")
    base_w = wid * PER_W
    pos_refs = (tpos, cpos, epos, dpos)
    tab_refs = (tt, ct, et, dt_)
    idx_all = (ia0, ia1, ia2, ia3)
    bufs = (b0, b1, b2, b3)
    gsems = (g0, g1, g2, g3)
    wsems = (w0, w1, w2, w3)
    hsems = (h0, h1, h2, h3)

    for t in range(4):
        pltpu.sync_copy(pos_refs[t].at[pl.ds(base_w, PER_W)], idx_all[t])

    def gather(chunk, t):
        return pltpu.make_async_copy(
            tab_refs[t].at[idx_all[t].at[pl.ds(chunk * C, C)]],
            bufs[t], gsems[t])

    def write(chunk, t):
        return pltpu.make_async_copy(
            bufs[t], slab.at[lax.axis_index("s")], wsems[t])

    def hbmw(chunk, t):
        return pltpu.make_async_copy(
            slab.at[lax.axis_index("s")],
            out.at[pl.ds(base_w + chunk * C, C), pl.ds(t * D_SUB, D_SUB)],
            hsems[t])

    for t in range(4):
        gather(0, t).start()
    for t in range(4):
        gather(0, t).wait()
        wd = write(0, t)
        wd.start()
        wd.wait()
        hbmw(0, t).start()
        gather(1, t).start()

    @pl.loop(1, NCHUNK - 1)
    def _steady(chunk):
        for t in range(4):
            gather(chunk, t).wait()
            wd = write(chunk, t)
            wd.start()
            wd.wait()
            hbmw(chunk - 1, t).wait()
            hbmw(chunk, t).start()
            gather(chunk + 1, t).start()

    for t in range(4):
        gather(NCHUNK - 1, t).wait()
        wd = write(NCHUNK - 1, t)
        wd.start()
        wd.wait()
        hbmw(NCHUNK - 2, t).wait()
        hbmw(NCHUNK - 1, t).start()
    for t in range(4):
        hbmw(NCHUNK - 1, t).wait()


@jax.jit
def _lookup(tpos, cpos, epos, dpos, tt, ct, et, dt_):
    mesh = plsc.VectorSubcoreMesh(
        core_axis_name="c", subcore_axis_name="s",
        num_cores=NC, num_subcores=NS)
    scratch = (
        [pltpu.VMEM((PER_W,), jnp.int32) for _ in range(4)]
        + [pltpu.VMEM((C, D_SUB), jnp.float32) for _ in range(4)]
        + [pltpu.SemaphoreType.DMA for _ in range(12)]
        + [pltpu.VMEM_SHARED((NS, C, D_SUB), jnp.float32)]
    )
    f = pl.kernel(
        _sc_body,
        out_type=jax.ShapeDtypeStruct((B_TOTAL, D_MODEL), jnp.float32),
        mesh=mesh,
        scratch_types=scratch,
    )
    return f(tpos.reshape(-1), cpos.reshape(-1), epos.reshape(-1),
             dpos.reshape(-1), tt, ct, et, dt_)


def kernel(temporal_pos, causal_depth, epistemic_pos, deontic_pos,
           temporal_table, causal_table, epistemic_table, deontic_table):
    b, s = temporal_pos.shape
    out = _lookup(temporal_pos, causal_depth, epistemic_pos, deontic_pos,
                  temporal_table, causal_table, epistemic_table, deontic_table)
    return out.reshape(b, s, D_MODEL)

# --- scband reference (transcript-rebuilt; emitter-appended) ---
"""Pipeline reference for scband-legal-positional-encoding-53455162966323 (READ-ONLY COPY).

The authoritative reference and input builder live on the scoring server;
editing this copy changes nothing except your own understanding.
"""

import jax, jax.numpy as jnp
import numpy as np

D_MODEL = 1024
MAX_POS = 1000
TEMPORAL_DIM = D_MODEL // 4
CAUSAL_DIM = D_MODEL // 4
EPISTEMIC_DIM = D_MODEL // 4
DEONTIC_DIM = D_MODEL - 3 * (D_MODEL // 4)
B, S = 4, 8192


def setup_inputs(seed: int = 0) -> dict:
    key = jax.random.key(seed)
    ks = jax.random.split(key, 8)
    inp = {}
    inp["temporal_pos"] = jax.random.randint(ks[0], (B, S), 0, MAX_POS, dtype=jnp.int64 if jax.config.read('jax_enable_x64') else jnp.int32)
    inp["causal_depth"] = jax.random.randint(ks[1], (B, S), 0, MAX_POS, dtype=jnp.int64 if jax.config.read('jax_enable_x64') else jnp.int32)
    inp["epistemic_pos"] = jax.random.randint(ks[2], (B, S), 0, MAX_POS, dtype=jnp.int64 if jax.config.read('jax_enable_x64') else jnp.int32)
    inp["deontic_pos"] = jax.random.randint(ks[3], (B, S), 0, MAX_POS, dtype=jnp.int64 if jax.config.read('jax_enable_x64') else jnp.int32)
    inp["temporal_table"] = jax.random.normal(ks[4], (MAX_POS, TEMPORAL_DIM), dtype=jnp.float32)
    inp["causal_table"] = jax.random.normal(ks[5], (MAX_POS, CAUSAL_DIM), dtype=jnp.float32)
    inp["epistemic_table"] = jax.random.normal(ks[6], (MAX_POS, EPISTEMIC_DIM), dtype=jnp.float32)
    inp["deontic_table"] = jax.random.normal(ks[7], (MAX_POS, DEONTIC_DIM), dtype=jnp.float32)
    return inp


def reference(temporal_pos, causal_depth, epistemic_pos, deontic_pos,
              temporal_table, causal_table, epistemic_table, deontic_table):
    temporal = jnp.take(temporal_table, temporal_pos, axis=0)
    causal = jnp.take(causal_table, causal_depth, axis=0)
    epistemic = jnp.take(epistemic_table, epistemic_pos, axis=0)
    deontic = jnp.take(deontic_table, deontic_pos, axis=0)
    return jnp.concatenate([temporal, causal, epistemic, deontic], axis=-1)

if __name__ == "__main__":
    import jax
    _d = setup_inputs()
    print(jax.jit(kernel)(*tuple(_d.values())))

</pallas_src>

<mosaic_0001>
#map = affine_map<(d0, d1) -> (0)>
#map1 = affine_map<(d0, d1) -> (0, 0)>
module attributes {stable_mosaic.version = 14 : i64} {
  func.func @_sc_body(%arg0: i32, %arg1: i32, %arg2: memref<32768xi32, #tpu.memory_space<hbm>>, %arg3: memref<32768xi32, #tpu.memory_space<hbm>>, %arg4: memref<32768xi32, #tpu.memory_space<hbm>>, %arg5: memref<32768xi32, #tpu.memory_space<hbm>>, %arg6: memref<1000x256xf32, #tpu.memory_space<hbm>>, %arg7: memref<1000x256xf32, #tpu.memory_space<hbm>>, %arg8: memref<1000x256xf32, #tpu.memory_space<hbm>>, %arg9: memref<1000x256xf32, #tpu.memory_space<hbm>>, %arg10: memref<32768x1024xf32, #tpu.memory_space<hbm>>, %arg11: memref<1024xi32, #tpu.memory_space<vmem>>, %arg12: memref<1024xi32, #tpu.memory_space<vmem>>, %arg13: memref<1024xi32, #tpu.memory_space<vmem>>, %arg14: memref<1024xi32, #tpu.memory_space<vmem>>, %arg15: memref<64x256xf32, #tpu.memory_space<vmem>>, %arg16: memref<64x256xf32, #tpu.memory_space<vmem>>, %arg17: memref<64x256xf32, #tpu.memory_space<vmem>>, %arg18: memref<64x256xf32, #tpu.memory_space<vmem>>, %arg19: memref<!tpu.dma_semaphore, #tpu.memory_space<semaphore_mem>>, %arg20: memref<!tpu.dma_semaphore, #tpu.memory_space<semaphore_mem>>, %arg21: memref<!tpu.dma_semaphore, #tpu.memory_space<semaphore_mem>>, %arg22: memref<!tpu.dma_semaphore, #tpu.memory_space<semaphore_mem>>, %arg23: memref<!tpu.dma_semaphore, #tpu.memory_space<semaphore_mem>>, %arg24: memref<!tpu.dma_semaphore, #tpu.memory_space<semaphore_mem>>, %arg25: memref<!tpu.dma_semaphore, #tpu.memory_space<semaphore_mem>>, %arg26: memref<!tpu.dma_semaphore, #tpu.memory_space<semaphore_mem>>, %arg27: memref<!tpu.dma_semaphore, #tpu.memory_space<semaphore_mem>>, %arg28: memref<!tpu.dma_semaphore, #tpu.memory_space<semaphore_mem>>, %arg29: memref<!tpu.dma_semaphore, #tpu.memory_space<semaphore_mem>>, %arg30: memref<!tpu.dma_semaphore, #tpu.memory_space<semaphore_mem>>, %arg31: memref<16x64x256xf32, #tpu.memory_space<vmem_shared>>) attributes {dimension_semantics = [#tpu.dimension_semantics<core_parallel>, #tpu.dimension_semantics<subcore_parallel>], iteration_bounds = array<i64: 2, 16>, scalar_prefetch = 0 : i64, scratch_operands = 21 : i64, tpu.core_type = #tpu.core_type<sc_vector_subcore>, window_params = [{transform_indices = #map}, {transform_indices = #map}, {transform_indices = #map}, {transform_indices = #map}, {transform_indices = #map1}, {transform_indices = #map1}, {transform_indices = #map1}, {transform_indices = #map1}, {transform_indices = #map1}]} {
    %mul3A = arith.constant 2 : i32
    %mul3A_0 = arith.muli %arg1, %mul3A : i32
    %add3A = arith.addi %mul3A_0, %arg0 : i32
    %mul3A_1 = arith.constant 1024 : i32
    %mul3A_2 = arith.muli %add3A, %mul3A_1 : i32
    "tpu.region"() ({
      %run_scoped3A = tpu.sem_alloc : memref<!tpu.dma_semaphore, #tpu.memory_space<semaphore_mem>>
      %dma_start3A_341 = tpu.memref_slice %arg2[%mul3A_2] : memref<32768xi32, #tpu.memory_space<hbm>> -> memref<1024xi32, #tpu.memory_space<hbm>>
      %dma_start3A_342 = tpu.memref_slice %arg2[%mul3A_2] : memref<32768xi32, #tpu.memory_space<hbm>> -> memref<1024xi32, #tpu.memory_space<hbm>>
      tpu.enqueue_dma source(%dma_start3A_342 : memref<1024xi32, #tpu.memory_space<hbm>>) target(%arg11 : memref<1024xi32, #tpu.memory_space<vmem>>) target_semaphore(%run_scoped3A : memref<!tpu.dma_semaphore, #tpu.memory_space<semaphore_mem>>)
      %dma_wait3A_343 = tpu.memref_slice %arg2[%mul3A_2] : memref<32768xi32, #tpu.memory_space<hbm>> -> memref<1024xi32, #tpu.memory_space<hbm>>
      %dma_wait3A_344 = tpu.memref_slice %arg2[%mul3A_2] : memref<32768xi32, #tpu.memory_space<hbm>> -> memref<1024xi32, #tpu.memory_space<hbm>>
      tpu.wait_dma2 semaphore(%run_scoped3A : memref<!tpu.dma_semaphore, #tpu.memory_space<semaphore_mem>>) src(%dma_wait3A_344 : memref<1024xi32, #tpu.memory_space<hbm>>) dst(%arg11 : memref<1024xi32, #tpu.memory_space<vmem>>)
      tpu.yield
    }) : () -> ()
    "tpu.region"() ({
      %run_scoped3A = tpu.sem_alloc : memref<!tpu.dma_semaphore, #tpu.memory_space<semaphore_mem>>
      %dma_start3A_341 = tpu.memref_slice %arg3[%mul3A_2] : memref<32768xi32, #tpu.memory_space<hbm>> -> memref<1024xi32, #tpu.memory_space<hbm>>
      %dma_start3A_342 = tpu.memref_slice %arg3[%mul3A_2] : memref<32768xi32, #tpu.memory_space<hbm>> -> memref<1024xi32, #tpu.memory_space<hbm>>
      tpu.enqueue_dma source(%dma_start3A_342 : memref<1024xi32, #tpu.memory_space<hbm>>) target(%arg12 : memref<1024xi32, #tpu.memory_space<vmem>>) target_semaphore(%run_scoped3A : memref<!tpu.dma_semaphore, #tpu.memory_space<semaphore_mem>>)
      %dma_wait3A_343 = tpu.memref_slice %arg3[%mul3A_2] : memref<32768xi32, #tpu.memory_space<hbm>> -> memref<1024xi32, #tpu.memory_space<hbm>>
      %dma_wait3A_344 = tpu.memref_slice %arg3[%mul3A_2] : memref<32768xi32, #tpu.memory_space<hbm>> -> memref<1024xi32, #tpu.memory_space<hbm>>
      tpu.wait_dma2 semaphore(%run_scoped3A : memref<!tpu.dma_semaphore, #tpu.memory_space<semaphore_mem>>) src(%dma_wait3A_344 : memref<1024xi32, #tpu.memory_space<hbm>>) dst(%arg12 : memref<1024xi32, #tpu.memory_space<vmem>>)
      tpu.yield
    }) : () -> ()
    "tpu.region"() ({
      %run_scoped3A = tpu.sem_alloc : memref<!tpu.dma_semaphore, #tpu.memory_space<semaphore_mem>>
      %dma_start3A_341 = tpu.memref_slice %arg4[%mul3A_2] : memref<32768xi32, #tpu.memory_space<hbm>> -> memref<1024xi32, #tpu.memory_space<hbm>>
      %dma_start3A_342 = tpu.memref_slice %arg4[%mul3A_2] : memref<32768xi32, #tpu.memory_space<hbm>> -> memref<1024xi32, #tpu.memory_space<hbm>>
      tpu.enqueue_dma source(%dma_start3A_342 : memref<1024xi32, #tpu.memory_space<hbm>>) target(%arg13 : memref<1024xi32, #tpu.memory_space<vmem>>) target_semaphore(%run_scoped3A : memref<!tpu.dma_semaphore, #tpu.memory_space<semaphore_mem>>)
      %dma_wait3A_343 = tpu.memref_slice %arg4[%mul3A_2] : memref<32768xi32, #tpu.memory_space<hbm>> -> memref<1024xi32, #tpu.memory_space<hbm>>
      %dma_wait3A_344 = tpu.memref_slice %arg4[%mul3A_2] : memref<32768xi32, #tpu.memory_space<hbm>> -> memref<1024xi32, #tpu.memory_space<hbm>>
      tpu.wait_dma2 semaphore(%run_scoped3A : memref<!tpu.dma_semaphore, #tpu.memory_space<semaphore_mem>>) src(%dma_wait3A_344 : memref<1024xi32, #tpu.memory_space<hbm>>) dst(%arg13 : memref<1024xi32, #tpu.memory_space<vmem>>)
      tpu.yield
    }) : () -> ()
    "tpu.region"() ({
      %run_scoped3A = tpu.sem_alloc : memref<!tpu.dma_semaphore, #tpu.memory_space<semaphore_mem>>
      %dma_start3A_341 = tpu.memref_slice %arg5[%mul3A_2] : memref<32768xi32, #tpu.memory_space<hbm>> -> memref<1024xi32, #tpu.memory_space<hbm>>
      %dma_start3A_342 = tpu.memref_slice %arg5[%mul3A_2] : memref<32768xi32, #tpu.memory_space<hbm>> -> memref<1024xi32, #tpu.memory_space<hbm>>
      tpu.enqueue_dma source(%dma_start3A_342 : memref<1024xi32, #tpu.memory_space<hbm>>) target(%arg14 : memref<1024xi32, #tpu.memory_space<vmem>>) target_semaphore(%run_scoped3A : memref<!tpu.dma_semaphore, #tpu.memory_space<semaphore_mem>>)
      %dma_wait3A_343 = tpu.memref_slice %arg5[%mul3A_2] : memref<32768xi32, #tpu.memory_space<hbm>> -> memref<1024xi32, #tpu.memory_space<hbm>>
      %dma_wait3A_344 = tpu.memref_slice %arg5[%mul3A_2] : memref<32768xi32, #tpu.memory_space<hbm>> -> memref<1024xi32, #tpu.memory_space<hbm>>
      tpu.wait_dma2 semaphore(%run_scoped3A : memref<!tpu.dma_semaphore, #tpu.memory_space<semaphore_mem>>) src(%dma_wait3A_344 : memref<1024xi32, #tpu.memory_space<hbm>>) dst(%arg14 : memref<1024xi32, #tpu.memory_space<vmem>>)
      tpu.yield
    }) : () -> ()
    %dma_start3A = arith.constant 0 : i32
    %dma_start3A_3 = tpu.memref_slice %arg11[%dma_start3A] : memref<1024xi32, #tpu.memory_space<vmem>> -> memref<64xi32, #tpu.memory_space<vmem>>
    %dma_start3A_4 = arith.constant 0 : i32
    %dma_start3A_5 = arith.constant 0 : i32
    %dma_start3A_6 = tpu.memref_slice %arg6[%dma_start3A_4, %dma_start3A_5] : memref<1000x256xf32, #tpu.memory_space<hbm>> -> memref<1000x256xf32, #tpu.memory_space<hbm>>
    tpu.enqueue_indirect_dma source(%dma_start3A_6 : memref<1000x256xf32, #tpu.memory_space<hbm>>) target(%arg15 : memref<64x256xf32, #tpu.memory_space<vmem>>) offsets(%dma_start3A_3 : memref<64xi32, #tpu.memory_space<vmem>>) semaphore(%arg19 : memref<!tpu.dma_semaphore, #tpu.memory_space<semaphore_mem>>)
    %dma_start3A_7 = arith.constant 0 : i32
    %dma_start3A_8 = tpu.memref_slice %arg12[%dma_start3A_7] : memref<1024xi32, #tpu.memory_space<vmem>> -> memref<64xi32, #tpu.memory_space<vmem>>
    %dma_start3A_9 = arith.constant 0 : i32
    %dma_start3A_10 = arith.constant 0 : i32
    %dma_start3A_11 = tpu.memref_slice %arg7[%dma_start3A_9, %dma_start3A_10] : memref<1000x256xf32, #tpu.memory_space<hbm>> -> memref<1000x256xf32, #tpu.memory_space<hbm>>
    tpu.enqueue_indirect_dma source(%dma_start3A_11 : memref<1000x256xf32, #tpu.memory_space<hbm>>) target(%arg16 : memref<64x256xf32, #tpu.memory_space<vmem>>) offsets(%dma_start3A_8 : memref<64xi32, #tpu.memory_space<vmem>>) semaphore(%arg20 : memref<!tpu.dma_semaphore, #tpu.memory_space<semaphore_mem>>)
    %dma_start3A_12 = arith.constant 0 : i32
    %dma_start3A_13 = tpu.memref_slice %arg13[%dma_start3A_12] : memref<1024xi32, #tpu.memory_space<vmem>> -> memref<64xi32, #tpu.memory_space<vmem>>
    %dma_start3A_14 = arith.constant 0 : i32
    %dma_start3A_15 = arith.constant 0 : i32
    %dma_start3A_16 = tpu.memref_slice %arg8[%dma_start3A_14, %dma_start3A_15] : memref<1000x256xf32, #tpu.memory_space<hbm>> -> memref<1000x256xf32, #tpu.memory_space<hbm>>
    tpu.enqueue_indirect_dma source(%dma_start3A_16 : memref<1000x256xf32, #tpu.memory_space<hbm>>) target(%arg17 : memref<64x256xf32, #tpu.memory_space<vmem>>) offsets(%dma_start3A_13 : memref<64xi32, #tpu.memory_space<vmem>>) semaphore(%arg21 : memref<!tpu.dma_semaphore, #tpu.memory_space<semaphore_mem>>)
    %dma_start3A_17 = arith.constant 0 : i32
    %dma_start3A_18 = tpu.memref_slice %arg14[%dma_start3A_17] : memref<1024xi32, #tpu.memory_space<vmem>> -> memref<64xi32, #tpu.memory_space<vmem>>
    %dma_start3A_19 = arith.constant 0 : i32
    %dma_start3A_20 = arith.constant 0 : i32
    %dma_start3A_21 = tpu.memref_slice %arg9[%dma_start3A_19, %dma_start3A_20] : memref<1000x256xf32, #tpu.memory_space<hbm>> -> memref<1000x256xf32, #tpu.memory_space<hbm>>
    tpu.enqueue_indirect_dma source(%dma_start3A_21 : memref<1000x256xf32, #tpu.memory_space<hbm>>) target(%arg18 : memref<64x256xf32, #tpu.memory_space<vmem>>) offsets(%dma_start3A_18 : memref<64xi32, #tpu.memory_space<vmem>>) semaphore(%arg22 : memref<!tpu.dma_semaphore, #tpu.memory_space<semaphore_mem>>)
    %dma_wait3A = arith.constant 0 : i32
    %dma_wait3A_22 = tpu.memref_slice %arg11[%dma_wait3A] : memref<1024xi32, #tpu.memory_space<vmem>> -> memref<64xi32, #tpu.memory_space<vmem>>
    %dma_wait3A_23 = arith.constant 0 : i32
    %dma_wait3A_24 = arith.constant 0 : i32
    %dma_wait3A_25 = tpu.memref_slice %arg6[%dma_wait3A_23, %dma_wait3A_24] : memref<1000x256xf32, #tpu.memory_space<hbm>> -> memref<1000x256xf32, #tpu.memory_space<hbm>>
    tpu.wait_indirect_dma semaphore(%arg19 : memref<!tpu.dma_semaphore, #tpu.memory_space<semaphore_mem>>) src(%dma_wait3A_25 : memref<1000x256xf32, #tpu.memory_space<hbm>>) dst(%arg15 : memref<64x256xf32, #tpu.memory_space<vmem>>)
    %dma_start3A_26 = arith.constant 0 : i32
    %dma_start3A_27 = arith.constant 0 : i32
    %dma_start3A_28 = tpu.memref_slice %arg31[%arg1, %dma_start3A_26, %dma_start3A_27] : memref<16x64x256xf32, #tpu.memory_space<vmem_shared>> -> memref<1x64x256xf32, #tpu.memory_space<vmem_shared>>
    %dma_start3A_29 = tpu.memref_squeeze %dma_start3A_28 : memref<1x64x256xf32, #tpu.memory_space<vmem_shared>> -> memref<64x256xf32, #tpu.memory_space<vmem_shared>>
    %dma_start3A_30 = arith.constant 0 : i32
    %dma_start3A_31 = arith.constant 0 : i32
    %dma_start3A_32 = tpu.memref_slice %arg31[%arg1, %dma_start3A_30, %dma_start3A_31] : memref<16x64x256xf32, #tpu.memory_space<vmem_shared>> -> memref<1x64x256xf32, #tpu.memory_space<vmem_shared>>
    %dma_start3A_33 = tpu.memref_squeeze %dma_start3A_32 : memref<1x64x256xf32, #tpu.memory_space<vmem_shared>> -> memref<64x256xf32, #tpu.memory_space<vmem_shared>>
    tpu.enqueue_dma source(%arg15 : memref<64x256xf32, #tpu.memory_space<vmem>>) target(%dma_start3A_33 : memref<64x256xf32, #tpu.memory_space<vmem_shared>>) target_semaphore(%arg23 : memref<!tpu.dma_semaphore, #tpu.memory_space<semaphore_mem>>)
    %dma_wait3A_34 = arith.constant 0 : i32
    %dma_wait3A_35 = arith.constant 0 : i32
    %dma_wait3A_36 = tpu.memref_slice %arg31[%arg1, %dma_wait3A_34, %dma_wait3A_35] : memref<16x64x256xf32, #tpu.memory_space<vmem_shared>> -> memref<1x64x256xf32, #tpu.memory_space<vmem_shared>>
    %dma_wait3A_37 = tpu.memref_squeeze %dma_wait3A_36 : memref<1x64x256xf32, #tpu.memory_space<vmem_shared>> -> memref<64x256xf32, #tpu.memory_space<vmem_shared>>
    %dma_wait3A_38 = arith.constant 0 : i32
    %dma_wait3A_39 = arith.constant 0 : i32
    %dma_wait3A_40 = tpu.memref_slice %arg31[%arg1, %dma_wait3A_38, %dma_wait3A_39] : memref<16x64x256xf32, #tpu.memory_space<vmem_shared>> -> memref<1x64x256xf32, #tpu.memory_space<vmem_shared>>
    %dma_wait3A_41 = tpu.memref_squeeze %dma_wait3A_40 : memref<1x64x256xf32, #tpu.memory_space<vmem_shared>> -> memref<64x256xf32, #tpu.memory_space<vmem_shared>>
    tpu.wait_dma2 semaphore(%arg23 : memref<!tpu.dma_semaphore, #tpu.memory_space<semaphore_mem>>) src(%arg15 : memref<64x256xf32, #tpu.memory_space<vmem>>) dst(%dma_wait3A_41 : memref<64x256xf32, #tpu.memory_space<vmem_shared>>)
    %add3A_42 = arith.constant 0 : i32
    %add3A_43 = arith.addi %mul3A_2, %add3A_42 : i32
    %dma_start3A_44 = arith.constant 0 : i32
    %dma_start3A_45 = tpu.memref_slice %arg10[%add3A_43, %dma_start3A_44] : memref<32768x1024xf32, #tpu.memory_space<hbm>> -> memref<64x256xf32, #tpu.memory_space<hbm>>
    %dma_start3A_46 = arith.constant 0 : i32
    %dma_start3A_47 = arith.constant 0 : i32
    %dma_start3A_48 = tpu.memref_slice %arg31[%arg1, %dma_start3A_46, %dma_start3A_47] : memref<16x64x256xf32, #tpu.memory_space<vmem_shared>> -> memref<1x64x256xf32, #tpu.memory_space<vmem_shared>>
    %dma_start3A_49 = tpu.memref_squeeze %dma_start3A_48 : memref<1x64x256xf32, #tpu.memory_space<vmem_shared>> -> memref<64x256xf32, #tpu.memory_space<vmem_shared>>
    tpu.enqueue_dma source(%dma_start3A_49 : memref<64x256xf32, #tpu.memory_space<vmem_shared>>) target(%dma_start3A_45 : memref<64x256xf32, #tpu.memory_space<hbm>>) target_semaphore(%arg27 : memref<!tpu.dma_semaphore, #tpu.memory_space<semaphore_mem>>)
    %dma_start3A_50 = arith.constant 64 : i32
    %dma_start3A_51 = tpu.memref_slice %arg11[%dma_start3A_50] : memref<1024xi32, #tpu.memory_space<vmem>> -> memref<64xi32, #tpu.memory_space<vmem>>
    %dma_start3A_52 = arith.constant 0 : i32
    %dma_start3A_53 = arith.constant 0 : i32
    %dma_start3A_54 = tpu.memref_slice %arg6[%dma_start3A_52, %dma_start3A_53] : memref<1000x256xf32, #tpu.memory_space<hbm>> -> memref<1000x256xf32, #tpu.memory_space<hbm>>
    tpu.enqueue_indirect_dma source(%dma_start3A_54 : memref<1000x256xf32, #tpu.memory_space<hbm>>) target(%arg15 : memref<64x256xf32, #tpu.memory_space<vmem>>) offsets(%dma_start3A_51 : memref<64xi32, #tpu.memory_space<vmem>>) semaphore(%arg19 : memref<!tpu.dma_semaphore, #tpu.memory_space<semaphore_mem>>)
    %dma_wait3A_55 = arith.constant 0 : i32
    %dma_wait3A_56 = tpu.memref_slice %arg12[%dma_wait3A_55] : memref<1024xi32, #tpu.memory_space<vmem>> -> memref<64xi32, #tpu.memory_space<vmem>>
    %dma_wait3A_57 = arith.constant 0 : i32
    %dma_wait3A_58 = arith.constant 0 : i32
    %dma_wait3A_59 = tpu.memref_slice %arg7[%dma_wait3A_57, %dma_wait3A_58] : memref<1000x256xf32, #tpu.memory_space<hbm>> -> memref<1000x256xf32, #tpu.memory_space<hbm>>
    tpu.wait_indirect_dma semaphore(%arg20 : memref<!tpu.dma_semaphore, #tpu.memory_space<semaphore_mem>>) src(%dma_wait3A_59 : memref<1000x256xf32, #tpu.memory_space<hbm>>) dst(%arg16 : memref<64x256xf32, #tpu.memory_space<vmem>>)
    %dma_start3A_60 = arith.constant 0 : i32
    %dma_start3A_61 = arith.constant 0 : i32
    %dma_start3A_62 = tpu.memref_slice %arg31[%arg1, %dma_start3A_60, %dma_start3A_61] : memref<16x64x256xf32, #tpu.memory_space<vmem_shared>> -> memref<1x64x256xf32, #tpu.memory_space<vmem_shared>>
    %dma_start3A_63 = tpu.memref_squeeze %dma_start3A_62 : memref<1x64x256xf32, #tpu.memory_space<vmem_shared>> -> memref<64x256xf32, #tpu.memory_space<vmem_shared>>
    %dma_start3A_64 = arith.constant 0 : i32
    %dma_start3A_65 = arith.constant 0 : i32
    %dma_start3A_66 = tpu.memref_slice %arg31[%arg1, %dma_start3A_64, %dma_start3A_65] : memref<16x64x256xf32, #tpu.memory_space<vmem_shared>> -> memref<1x64x256xf32, #tpu.memory_space<vmem_shared>>
    %dma_start3A_67 = tpu.memref_squeeze %dma_start3A_66 : memref<1x64x256xf32, #tpu.memory_space<vmem_shared>> -> memref<64x256xf32, #tpu.memory_space<vmem_shared>>
    tpu.enqueue_dma source(%arg16 : memref<64x256xf32, #tpu.memory_space<vmem>>) target(%dma_start3A_67 : memref<64x256xf32, #tpu.memory_space<vmem_shared>>) target_semaphore(%arg24 : memref<!tpu.dma_semaphore, #tpu.memory_space<semaphore_mem>>)
    %dma_wait3A_68 = arith.constant 0 : i32
    %dma_wait3A_69 = arith.constant 0 : i32
    %dma_wait3A_70 = tpu.memref_slice %arg31[%arg1, %dma_wait3A_68, %dma_wait3A_69] : memref<16x64x256xf32, #tpu.memory_space<vmem_shared>> -> memref<1x64x256xf32, #tpu.memory_space<vmem_shared>>
    %dma_wait3A_71 = tpu.memref_squeeze %dma_wait3A_70 : memref<1x64x256xf32, #tpu.memory_space<vmem_shared>> -> memref<64x256xf32, #tpu.memory_space<vmem_shared>>
    %dma_wait3A_72 = arith.constant 0 : i32
    %dma_wait3A_73 = arith.constant 0 : i32
    %dma_wait3A_74 = tpu.memref_slice %arg31[%arg1, %dma_wait3A_72, %dma_wait3A_73] : memref<16x64x256xf32, #tpu.memory_space<vmem_shared>> -> memref<1x64x256xf32, #tpu.memory_space<vmem_shared>>
    %dma_wait3A_75 = tpu.memref_squeeze %dma_wait3A_74 : memref<1x64x256xf32, #tpu.memory_space<vmem_shared>> -> memref<64x256xf32, #tpu.memory_space<vmem_shared>>
    tpu.wait_dma2 semaphore(%arg24 : memref<!tpu.dma_semaphore, #tpu.memory_space<semaphore_mem>>) src(%arg16 : memref<64x256xf32, #tpu.memory_space<vmem>>) dst(%dma_wait3A_75 : memref<64x256xf32, #tpu.memory_space<vmem_shared>>)
    %add3A_76 = arith.constant 0 : i32
    %add3A_77 = arith.addi %mul3A_2, %add3A_76 : i32
    %dma_start3A_78 = arith.constant 256 : i32
    %dma_start3A_79 = tpu.memref_slice %arg10[%add3A_77, %dma_start3A_78] : memref<32768x1024xf32, #tpu.memory_space<hbm>> -> memref<64x256xf32, #tpu.memory_space<hbm>>
    %dma_start3A_80 = arith.constant 0 : i32
    %dma_start3A_81 = arith.constant 0 : i32
    %dma_start3A_82 = tpu.memref_slice %arg31[%arg1, %dma_start3A_80, %dma_start3A_81] : memref<16x64x256xf32, #tpu.memory_space<vmem_shared>> -> memref<1x64x256xf32, #tpu.memory_space<vmem_shared>>
    %dma_start3A_83 = tpu.memref_squeeze %dma_start3A_82 : memref<1x64x256xf32, #tpu.memory_space<vmem_shared>> -> memref<64x256xf32, #tpu.memory_space<vmem_shared>>
    tpu.enqueue_dma source(%dma_start3A_83 : memref<64x256xf32, #tpu.memory_space<vmem_shared>>) target(%dma_start3A_79 : memref<64x256xf32, #tpu.memory_space<hbm>>) target_semaphore(%arg28 : memref<!tpu.dma_semaphore, #tpu.memory_space<semaphore_mem>>)
    %dma_start3A_84 = arith.constant 64 : i32
    %dma_start3A_85 = tpu.memref_slice %arg12[%dma_start3A_84] : memref<1024xi32, #tpu.memory_space<vmem>> -> memref<64xi32, #tpu.memory_space<vmem>>
    %dma_start3A_86 = arith.constant 0 : i32
    %dma_start3A_87 = arith.constant 0 : i32
    %dma_start3A_88 = tpu.memref_slice %arg7[%dma_start3A_86, %dma_start3A_87] : memref<1000x256xf32, #tpu.memory_space<hbm>> -> memref<1000x256xf32, #tpu.memory_space<hbm>>
    tpu.enqueue_indirect_dma source(%dma_start3A_88 : memref<1000x256xf32, #tpu.memory_space<hbm>>) target(%arg16 : memref<64x256xf32, #tpu.memory_space<vmem>>) offsets(%dma_start3A_85 : memref<64xi32, #tpu.memory_space<vmem>>) semaphore(%arg20 : memref<!tpu.dma_semaphore, #tpu.memory_space<semaphore_mem>>)
    %dma_wait3A_89 = arith.constant 0 : i32
    %dma_wait3A_90 = tpu.memref_slice %arg13[%dma_wait3A_89] : memref<1024xi32, #tpu.memory_space<vmem>> -> memref<64xi32, #tpu.memory_space<vmem>>
    %dma_wait3A_91 = arith.constant 0 : i32
    %dma_wait3A_92 = arith.constant 0 : i32
    %dma_wait3A_93 = tpu.memref_slice %arg8[%dma_wait3A_91, %dma_wait3A_92] : memref<1000x256xf32, #tpu.memory_space<hbm>> -> memref<1000x256xf32, #tpu.memory_space<hbm>>
    tpu.wait_indirect_dma semaphore(%arg21 : memref<!tpu.dma_semaphore, #tpu.memory_space<semaphore_mem>>) src(%dma_wait3A_93 : memref<1000x256xf32, #tpu.memory_space<hbm>>) dst(%arg17 : memref<64x256xf32, #tpu.memory_space<vmem>>)
    %dma_start3A_94 = arith.constant 0 : i32
    %dma_start3A_95 = arith.constant 0 : i32
    %dma_start3A_96 = tpu.memref_slice %arg31[%arg1, %dma_start3A_94, %dma_start3A_95] : memref<16x64x256xf32, #tpu.memory_space<vmem_shared>> -> memref<1x64x256xf32, #tpu.memory_space<vmem_shared>>
    %dma_start3A_97 = tpu.memref_squeeze %dma_start3A_96 : memref<1x64x256xf32, #tpu.memory_space<vmem_shared>> -> memref<64x256xf32, #tpu.memory_space<vmem_shared>>
    %dma_start3A_98 = arith.constant 0 : i32
    %dma_start3A_99 = arith.constant 0 : i32
    %dma_start3A_100 = tpu.memref_slice %arg31[%arg1, %dma_start3A_98, %dma_start3A_99] : memref<16x64x256xf32, #tpu.memory_space<vmem_shared>> -> memref<1x64x256xf32, #tpu.memory_space<vmem_shared>>
    %dma_start3A_101 = tpu.memref_squeeze %dma_start3A_100 : memref<1x64x256xf32, #tpu.memory_space<vmem_shared>> -> memref<64x256xf32, #tpu.memory_space<vmem_shared>>
    tpu.enqueue_dma source(%arg17 : memref<64x256xf32, #tpu.memory_space<vmem>>) target(%dma_start3A_101 : memref<64x256xf32, #tpu.memory_space<vmem_shared>>) target_semaphore(%arg25 : memref<!tpu.dma_semaphore, #tpu.memory_space<semaphore_mem>>)
    %dma_wait3A_102 = arith.constant 0 : i32
    %dma_wait3A_103 = arith.constant 0 : i32
    %dma_wait3A_104 = tpu.memref_slice %arg31[%arg1, %dma_wait3A_102, %dma_wait3A_103] : memref<16x64x256xf32, #tpu.memory_space<vmem_shared>> -> memref<1x64x256xf32, #tpu.memory_space<vmem_shared>>
    %dma_wait3A_105 = tpu.memref_squeeze %dma_wait3A_104 : memref<1x64x256xf32, #tpu.memory_space<vmem_shared>> -> memref<64x256xf32, #tpu.memory_space<vmem_shared>>
    %dma_wait3A_106 = arith.constant 0 : i32
    %dma_wait3A_107 = arith.constant 0 : i32
    %dma_wait3A_108 = tpu.memref_slice %arg31[%arg1, %dma_wait3A_106, %dma_wait3A_107] : memref<16x64x256xf32, #tpu.memory_space<vmem_shared>> -> memref<1x64x256xf32, #tpu.memory_space<vmem_shared>>
    %dma_wait3A_109 = tpu.memref_squeeze %dma_wait3A_108 : memref<1x64x256xf32, #tpu.memory_space<vmem_shared>> -> memref<64x256xf32, #tpu.memory_space<vmem_shared>>
    tpu.wait_dma2 semaphore(%arg25 : memref<!tpu.dma_semaphore, #tpu.memory_space<semaphore_mem>>) src(%arg17 : memref<64x256xf32, #tpu.memory_space<vmem>>) dst(%dma_wait3A_109 : memref<64x256xf32, #tpu.memory_space<vmem_shared>>)
    %add3A_110 = arith.constant 0 : i32
    %add3A_111 = arith.addi %mul3A_2, %add3A_110 : i32
    %dma_start3A_112 = arith.constant 512 : i32
    %dma_start3A_113 = tpu.memref_slice %arg10[%add3A_111, %dma_start3A_112] : memref<32768x1024xf32, #tpu.memory_space<hbm>> -> memref<64x256xf32, #tpu.memory_space<hbm>>
    %dma_start3A_114 = arith.constant 0 : i32
    %dma_start3A_115 = arith.constant 0 : i32
    %dma_start3A_116 = tpu.memref_slice %arg31[%arg1, %dma_start3A_114, %dma_start3A_115] : memref<16x64x256xf32, #tpu.memory_space<vmem_shared>> -> memref<1x64x256xf32, #tpu.memory_space<vmem_shared>>
    %dma_start3A_117 = tpu.memref_squeeze %dma_start3A_116 : memref<1x64x256xf32, #tpu.memory_space<vmem_shared>> -> memref<64x256xf32, #tpu.memory_space<vmem_shared>>
    tpu.enqueue_dma source(%dma_start3A_117 : memref<64x256xf32, #tpu.memory_space<vmem_shared>>) target(%dma_start3A_113 : memref<64x256xf32, #tpu.memory_space<hbm>>) target_semaphore(%arg29 : memref<!tpu.dma_semaphore, #tpu.memory_space<semaphore_mem>>)
    %dma_start3A_118 = arith.constant 64 : i32
    %dma_start3A_119 = tpu.memref_slice %arg13[%dma_start3A_118] : memref<1024xi32, #tpu.memory_space<vmem>> -> memref<64xi32, #tpu.memory_space<vmem>>
    %dma_start3A_120 = arith.constant 0 : i32
    %dma_start3A_121 = arith.constant 0 : i32
    %dma_start3A_122 = tpu.memref_slice %arg8[%dma_start3A_120, %dma_start3A_121] : memref<1000x256xf32, #tpu.memory_space<hbm>> -> memref<1000x256xf32, #tpu.memory_space<hbm>>
    tpu.enqueue_indirect_dma source(%dma_start3A_122 : memref<1000x256xf32, #tpu.memory_space<hbm>>) target(%arg17 : memref<64x256xf32, #tpu.memory_space<vmem>>) offsets(%dma_start3A_119 : memref<64xi32, #tpu.memory_space<vmem>>) semaphore(%arg21 : memref<!tpu.dma_semaphore, #tpu.memory_space<semaphore_mem>>)
    %dma_wait3A_123 = arith.constant 0 : i32
    %dma_wait3A_124 = tpu.memref_slice %arg14[%dma_wait3A_123] : memref<1024xi32, #tpu.memory_space<vmem>> -> memref<64xi32, #tpu.memory_space<vmem>>
    %dma_wait3A_125 = arith.constant 0 : i32
    %dma_wait3A_126 = arith.constant 0 : i32
    %dma_wait3A_127 = tpu.memref_slice %arg9[%dma_wait3A_125, %dma_wait3A_126] : memref<1000x256xf32, #tpu.memory_space<hbm>> -> memref<1000x256xf32, #tpu.memory_space<hbm>>
    tpu.wait_indirect_dma semaphore(%arg22 : memref<!tpu.dma_semaphore, #tpu.memory_space<semaphore_mem>>) src(%dma_wait3A_127 : memref<1000x256xf32, #tpu.memory_space<hbm>>) dst(%arg18 : memref<64x256xf32, #tpu.memory_space<vmem>>)
    %dma_start3A_128 = arith.constant 0 : i32
    %dma_start3A_129 = arith.constant 0 : i32
    %dma_start3A_130 = tpu.memref_slice %arg31[%arg1, %dma_start3A_128, %dma_start3A_129] : memref<16x64x256xf32, #tpu.memory_space<vmem_shared>> -> memref<1x64x256xf32, #tpu.memory_space<vmem_shared>>
    %dma_start3A_131 = tpu.memref_squeeze %dma_start3A_130 : memref<1x64x256xf32, #tpu.memory_space<vmem_shared>> -> memref<64x256xf32, #tpu.memory_space<vmem_shared>>
    %dma_start3A_132 = arith.constant 0 : i32
    %dma_start3A_133 = arith.constant 0 : i32
    %dma_start3A_134 = tpu.memref_slice %arg31[%arg1, %dma_start3A_132, %dma_start3A_133] : memref<16x64x256xf32, #tpu.memory_space<vmem_shared>> -> memref<1x64x256xf32, #tpu.memory_space<vmem_shared>>
    %dma_start3A_135 = tpu.memref_squeeze %dma_start3A_134 : memref<1x64x256xf32, #tpu.memory_space<vmem_shared>> -> memref<64x256xf32, #tpu.memory_space<vmem_shared>>
    tpu.enqueue_dma source(%arg18 : memref<64x256xf32, #tpu.memory_space<vmem>>) target(%dma_start3A_135 : memref<64x256xf32, #tpu.memory_space<vmem_shared>>) target_semaphore(%arg26 : memref<!tpu.dma_semaphore, #tpu.memory_space<semaphore_mem>>)
    %dma_wait3A_136 = arith.constant 0 : i32
    %dma_wait3A_137 = arith.constant 0 : i32
    %dma_wait3A_138 = tpu.memref_slice %arg31[%arg1, %dma_wait3A_136, %dma_wait3A_137] : memref<16x64x256xf32, #tpu.memory_space<vmem_shared>> -> memref<1x64x256xf32, #tpu.memory_space<vmem_shared>>
    %dma_wait3A_139 = tpu.memref_squeeze %dma_wait3A_138 : memref<1x64x256xf32, #tpu.memory_space<vmem_shared>> -> memref<64x256xf32, #tpu.memory_space<vmem_shared>>
    %dma_wait3A_140 = arith.constant 0 : i32
    %dma_wait3A_141 = arith.constant 0 : i32
    %dma_wait3A_142 = tpu.memref_slice %arg31[%arg1, %dma_wait3A_140, %dma_wait3A_141] : memref<16x64x256xf32, #tpu.memory_space<vmem_shared>> -> memref<1x64x256xf32, #tpu.memory_space<vmem_shared>>
    %dma_wait3A_143 = tpu.memref_squeeze %dma_wait3A_142 : memref<1x64x256xf32, #tpu.memory_space<vmem_shared>> -> memref<64x256xf32, #tpu.memory_space<vmem_shared>>
    tpu.wait_dma2 semaphore(%arg26 : memref<!tpu.dma_semaphore, #tpu.memory_space<semaphore_mem>>) src(%arg18 : memref<64x256xf32, #tpu.memory_space<vmem>>) dst(%dma_wait3A_143 : memref<64x256xf32, #tpu.memory_space<vmem_shared>>)
    %add3A_144 = arith.constant 0 : i32
    %add3A_145 = arith.addi %mul3A_2, %add3A_144 : i32
    %dma_start3A_146 = arith.constant 768 : i32
    %dma_start3A_147 = tpu.memref_slice %arg10[%add3A_145, %dma_start3A_146] : memref<32768x1024xf32, #tpu.memory_space<hbm>> -> memref<64x256xf32, #tpu.memory_space<hbm>>
    %dma_start3A_148 = arith.constant 0 : i32
    %dma_start3A_149 = arith.constant 0 : i32
    %dma_start3A_150 = tpu.memref_slice %arg31[%arg1, %dma_start3A_148, %dma_start3A_149] : memref<16x64x256xf32, #tpu.memory_space<vmem_shared>> -> memref<1x64x256xf32, #tpu.memory_space<vmem_shared>>
    %dma_start3A_151 = tpu.memref_squeeze %dma_start3A_150 : memref<1x64x256xf32, #tpu.memory_space<vmem_shared>> -> memref<64x256xf32, #tpu.memory_space<vmem_shared>>
    tpu.enqueue_dma source(%dma_start3A_151 : memref<64x256xf32, #tpu.memory_space<vmem_shared>>) target(%dma_start3A_147 : memref<64x256xf32, #tpu.memory_space<hbm>>) target_semaphore(%arg30 : memref<!tpu.dma_semaphore, #tpu.memory_space<semaphore_mem>>)
    %dma_start3A_152 = arith.constant 64 : i32
    %dma_start3A_153 = tpu.memref_slice %arg14[%dma_start3A_152] : memref<1024xi32, #tpu.memory_space<vmem>> -> memref<64xi32, #tpu.memory_space<vmem>>
    %dma_start3A_154 = arith.constant 0 : i32
    %dma_start3A_155 = arith.constant 0 : i32
    %dma_start3A_156 = tpu.memref_slice %arg9[%dma_start3A_154, %dma_start3A_155] : memref<1000x256xf32, #tpu.memory_space<hbm>> -> memref<1000x256xf32, #tpu.memory_space<hbm>>
    tpu.enqueue_indirect_dma source(%dma_start3A_156 : memref<1000x256xf32, #tpu.memory_space<hbm>>) target(%arg18 : memref<64x256xf32, #tpu.memory_space<vmem>>) offsets(%dma_start3A_153 : memref<64xi32, #tpu.memory_space<vmem>>) semaphore(%arg22 : memref<!tpu.dma_semaphore, #tpu.memory_space<semaphore_mem>>)
    %scan3A = arith.constant 0 : i32
    %scan3A_157 = arith.constant 14 : i32
    %scan3A_158 = arith.addi %scan3A, %scan3A_157 : i32
    %scan3A_159 = arith.constant 1 : i32
    scf.for %scan3A_341 = %scan3A to %scan3A_158 step %scan3A_159  : i32 {
      %mul3A_342 = arith.constant 1 : i32
      %mul3A_343 = arith.muli %scan3A_341, %mul3A_342 : i32
      %add3A_344 = arith.constant 1 : i32
      %add3A_345 = arith.addi %add3A_344, %mul3A_343 : i32
      %mul3A_346 = arith.constant 64 : i32
      %mul3A_347 = arith.muli %add3A_345, %mul3A_346 : i32
      %dma_wait3A_348 = tpu.memref_slice %arg11[%mul3A_347] : memref<1024xi32, #tpu.memory_space<vmem>> -> memref<64xi32, #tpu.memory_space<vmem>>
      %dma_wait3A_349 = arith.constant 0 : i32
      %dma_wait3A_350 = arith.constant 0 : i32
      %dma_wait3A_351 = tpu.memref_slice %arg6[%dma_wait3A_349, %dma_wait3A_350] : memref<1000x256xf32, #tpu.memory_space<hbm>> -> memref<1000x256xf32, #tpu.memory_space<hbm>>
      tpu.wait_indirect_dma semaphore(%arg19 : memref<!tpu.dma_semaphore, #tpu.memory_space<semaphore_mem>>) src(%dma_wait3A_351 : memref<1000x256xf32, #tpu.memory_space<hbm>>) dst(%arg15 : memref<64x256xf32, #tpu.memory_space<vmem>>)
      %dma_start3A_352 = arith.constant 0 : i32
      %dma_start3A_353 = arith.constant 0 : i32
      %dma_start3A_354 = tpu.memref_slice %arg31[%arg1, %dma_start3A_352, %dma_start3A_353] : memref<16x64x256xf32, #tpu.memory_space<vmem_shared>> -> memref<1x64x256xf32, #tpu.memory_space<vmem_shared>>
      %dma_start3A_355 = tpu.memref_squeeze %dma_start3A_354 : memref<1x64x256xf32, #tpu.memory_space<vmem_shared>> -> memref<64x256xf32, #tpu.memory_space<vmem_shared>>
      %dma_start3A_356 = arith.constant 0 : i32
      %dma_start3A_357 = arith.constant 0 : i32
      %dma_start3A_358 = tpu.memref_slice %arg31[%arg1, %dma_start3A_356, %dma_start3A_357] : memref<16x64x256xf32, #tpu.memory_space<vmem_shared>> -> memref<1x64x256xf32, #tpu.memory_space<vmem_shared>>
      %dma_start3A_359 = tpu.memref_squeeze %dma_start3A_358 : memref<1x64x256xf32, #tpu.memory_space<vmem_shared>> -> memref<64x256xf32, #tpu.memory_space<vmem_shared>>
      tpu.enqueue_dma source(%arg15 : memref<64x256xf32, #tpu.memory_space<vmem>>) target(%dma_start3A_359 : memref<64x256xf32, #tpu.memory_space<vmem_shared>>) target_semaphore(%arg23 : memref<!tpu.dma_semaphore, #tpu.memory_space<semaphore_mem>>)
      %dma_wait3A_360 = arith.constant 0 : i32
      %dma_wait3A_361 = arith.constant 0 : i32
      %dma_wait3A_362 = tpu.memref_slice %arg31[%arg1, %dma_wait3A_360, %dma_wait3A_361] : memref<16x64x256xf32, #tpu.memory_space<vmem_shared>> -> memref<1x64x256xf32, #tpu.memory_space<vmem_shared>>
      %dma_wait3A_363 = tpu.memref_squeeze %dma_wait3A_362 : memref<1x64x256xf32, #tpu.memory_space<vmem_shared>> -> memref<64x256xf32, #tpu.memory_space<vmem_shared>>
      %dma_wait3A_364 = arith.constant 0 : i32
      %dma_wait3A_365 = arith.constant 0 : i32
      %dma_wait3A_366 = tpu.memref_slice %arg31[%arg1, %dma_wait3A_364, %dma_wait3A_365] : memref<16x64x256xf32, #tpu.memory_space<vmem_shared>> -> memref<1x64x256xf32, #tpu.memory_space<vmem_shared>>
      %dma_wait3A_367 = tpu.memref_squeeze %dma_wait3A_366 : memref<1x64x256xf32, #tpu.memory_space<vmem_shared>> -> memref<64x256xf32, #tpu.memory_space<vmem_shared>>
      tpu.wait_dma2 semaphore(%arg23 : memref<!tpu.dma_semaphore, #tpu.memory_space<semaphore_mem>>) src(%arg15 : memref<64x256xf32, #tpu.memory_space<vmem>>) dst(%dma_wait3A_367 : memref<64x256xf32, #tpu.memory_space<vmem_shared>>)
      %sub3A = arith.constant 1 : i32
      %sub3A_368 = arith.subi %add3A_345, %sub3A : i32
      %mul3A_369 = arith.constant 64 : i32
      %mul3A_370 = arith.muli %sub3A_368, %mul3A_369 : i32
      %add3A_371 = arith.addi %mul3A_2, %mul3A_370 : i32
      %dma_wait3A_372 = arith.constant 0 : i32
      %dma_wait3A_373 = tpu.memref_slice %arg10[%add3A_371, %dma_wait3A_372] : memref<32768x1024xf32, #tpu.memory_space<hbm>> -> memref<64x256xf32, #tpu.memory_space<hbm>>
      %dma_wait3A_374 = arith.constant 0 : i32
      %dma_wait3A_375 = arith.constant 0 : i32
      %dma_wait3A_376 = tpu.memref_slice %arg31[%arg1, %dma_wait3A_374, %dma_wait3A_375] : memref<16x64x256xf32, #tpu.memory_space<vmem_shared>> -> memref<1x64x256xf32, #tpu.memory_space<vmem_shared>>
      %dma_wait3A_377 = tpu.memref_squeeze %dma_wait3A_376 : memref<1x64x256xf32, #tpu.memory_space<vmem_shared>> -> memref<64x256xf32, #tpu.memory_space<vmem_shared>>
      tpu.wait_dma2 semaphore(%arg27 : memref<!tpu.dma_semaphore, #tpu.memory_space<semaphore_mem>>) src(%dma_wait3A_377 : memref<64x256xf32, #tpu.memory_space<vmem_shared>>) dst(%dma_wait3A_373 : memref<64x256xf32, #tpu.memory_space<hbm>>)
      %mul3A_378 = arith.constant 64 : i32
      %mul3A_379 = arith.muli %add3A_345, %mul3A_378 : i32
      %add3A_380 = arith.addi %mul3A_2, %mul3A_379 : i32
      %dma_start3A_381 = arith.constant 0 : i32
      %dma_start3A_382 = tpu.memref_slice %arg10[%add3A_380, %dma_start3A_381] : memref<32768x1024xf32, #tpu.memory_space<hbm>> -> memref<64x256xf32, #tpu.memory_space<hbm>>
      %dma_start3A_383 = arith.constant 0 : i32
      %dma_start3A_384 = arith.constant 0 : i32
      %dma_start3A_385 = tpu.memref_slice %arg31[%arg1, %dma_start3A_383, %dma_start3A_384] : memref<16x64x256xf32, #tpu.memory_space<vmem_shared>> -> memref<1x64x256xf32, #tpu.memory_space<vmem_shared>>
      %dma_start3A_386 = tpu.memref_squeeze %dma_start3A_385 : memref<1x64x256xf32, #tpu.memory_space<vmem_shared>> -> memref<64x256xf32, #tpu.memory_space<vmem_shared>>
      tpu.enqueue_dma source(%dma_start3A_386 : memref<64x256xf32, #tpu.memory_space<vmem_shared>>) target(%dma_start3A_382 : memref<64x256xf32, #tpu.memory_space<hbm>>) target_semaphore(%arg27 : memref<!tpu.dma_semaphore, #tpu.memory_space<semaphore_mem>>)
      %add3A_387 = arith.constant 1 : i32
      %add3A_388 = arith.addi %add3A_345, %add3A_387 : i32
      %mul3A_389 = arith.constant 64 : i32
      %mul3A_390 = arith.muli %add3A_388, %mul3A_389 : i32
      %dma_start3A_391 = tpu.memref_slice %arg11[%mul3A_390] : memref<1024xi32, #tpu.memory_space<vmem>> -> memref<64xi32, #tpu.memory_space<vmem>>
      %dma_start3A_392 = arith.constant 0 : i32
      %dma_start3A_393 = arith.constant 0 : i32
      %dma_start3A_394 = tpu.memref_slice %arg6[%dma_start3A_392, %dma_start3A_393] : memref<1000x256xf32, #tpu.memory_space<hbm>> -> memref<1000x256xf32, #tpu.memory_space<hbm>>
      tpu.enqueue_indirect_dma source(%dma_start3A_394 : memref<1000x256xf32, #tpu.memory_space<hbm>>) target(%arg15 : memref<64x256xf32, #tpu.memory_space<vmem>>) offsets(%dma_start3A_391 : memref<64xi32, #tpu.memory_space<vmem>>) semaphore(%arg19 : memref<!tpu.dma_semaphore, #tpu.memory_space<semaphore_mem>>)
      %mul3A_395 = arith.constant 64 : i32
      %mul3A_396 = arith.muli %add3A_345, %mul3A_395 : i32
      %dma_wait3A_397 = tpu.memref_slice %arg12[%mul3A_396] : memref<1024xi32, #tpu.memory_space<vmem>> -> memref<64xi32, #tpu.memory_space<vmem>>
      %dma_wait3A_398 = arith.constant 0 : i32
      %dma_wait3A_399 = arith.constant 0 : i32
      %dma_wait3A_400 = tpu.memref_slice %arg7[%dma_wait3A_398, %dma_wait3A_399] : memref<1000x256xf32, #tpu.memory_space<hbm>> -> memref<1000x256xf32, #tpu.memory_space<hbm>>
      tpu.wait_indirect_dma semaphore(%arg20 : memref<!tpu.dma_semaphore, #tpu.memory_space<semaphore_mem>>) src(%dma_wait3A_400 : memref<1000x256xf32, #tpu.memory_space<hbm>>) dst(%arg16 : memref<64x256xf32, #tpu.memory_space<vmem>>)
      %dma_start3A_401 = arith.constant 0 : i32
      %dma_start3A_402 = arith.constant 0 : i32
      %dma_start3A_403 = tpu.memref_slice %arg31[%arg1, %dma_start3A_401, %dma_start3A_402] : memref<16x64x256xf32, #tpu.memory_space<vmem_shared>> -> memref<1x64x256xf32, #tpu.memory_space<vmem_shared>>
      %dma_start3A_404 = tpu.memref_squeeze %dma_start3A_403 : memref<1x64x256xf32, #tpu.memory_space<vmem_shared>> -> memref<64x256xf32, #tpu.memory_space<vmem_shared>>
      %dma_start3A_405 = arith.constant 0 : i32
      %dma_start3A_406 = arith.constant 0 : i32
      %dma_start3A_407 = tpu.memref_slice %arg31[%arg1, %dma_start3A_405, %dma_start3A_406] : memref<16x64x256xf32, #tpu.memory_space<vmem_shared>> -> memref<1x64x256xf32, #tpu.memory_space<vmem_shared>>
      %dma_start3A_408 = tpu.memref_squeeze %dma_start3A_407 : memref<1x64x256xf32, #tpu.memory_space<vmem_shared>> -> memref<64x256xf32, #tpu.memory_space<vmem_shared>>
      tpu.enqueue_dma source(%arg16 : memref<64x256xf32, #tpu.memory_space<vmem>>) target(%dma_start3A_408 : memref<64x256xf32, #tpu.memory_space<vmem_shared>>) target_semaphore(%arg24 : memref<!tpu.dma_semaphore, #tpu.memory_space<semaphore_mem>>)
      %dma_wait3A_409 = arith.constant 0 : i32
      %dma_wait3A_410 = arith.constant 0 : i32
      %dma_wait3A_411 = tpu.memref_slice %arg31[%arg1, %dma_wait3A_409, %dma_wait3A_410] : memref<16x64x256xf32, #tpu.memory_space<vmem_shared>> -> memref<1x64x256xf32, #tpu.memory_space<vmem_shared>>
      %dma_wait3A_412 = tpu.memref_squeeze %dma_wait3A_411 : memref<1x64x256xf32, #tpu.memory_space<vmem_shared>> -> memref<64x256xf32, #tpu.memory_space<vmem_shared>>
      %dma_wait3A_413 = arith.constant 0 : i32
      %dma_wait3A_414 = arith.constant 0 : i32
      %dma_wait3A_415 = tpu.memref_slice %arg31[%arg1, %dma_wait3A_413, %dma_wait3A_414] : memref<16x64x256xf32, #tpu.memory_space<vmem_shared>> -> memref<1x64x256xf32, #tpu.memory_space<vmem_shared>>
      %dma_wait3A_416 = tpu.memref_squeeze %dma_wait3A_415 : memref<1x64x256xf32, #tpu.memory_space<vmem_shared>> -> memref<64x256xf32, #tpu.memory_space<vmem_shared>>
      tpu.wait_dma2 semaphore(%arg24 : memref<!tpu.dma_semaphore, #tpu.memory_space<semaphore_mem>>) src(%arg16 : memref<64x256xf32, #tpu.memory_space<vmem>>) dst(%dma_wait3A_416 : memref<64x256xf32, #tpu.memory_space<vmem_shared>>)
      %sub3A_417 = arith.constant 1 : i32
      %sub3A_418 = arith.subi %add3A_345, %sub3A_417 : i32
      %mul3A_419 = arith.constant 64 : i32
      %mul3A_420 = arith.muli %sub3A_418, %mul3A_419 : i32
      %add3A_421 = arith.addi %mul3A_2, %mul3A_420 : i32
      %dma_wait3A_422 = arith.constant 256 : i32
      %dma_wait3A_423 = tpu.memref_slice %arg10[%add3A_421, %dma_wait3A_422] : memref<32768x1024xf32, #tpu.memory_space<hbm>> -> memref<64x256xf32, #tpu.memory_space<hbm>>
      %dma_wait3A_424 = arith.constant 0 : i32
      %dma_wait3A_425 = arith.constant 0 : i32
      %dma_wait3A_426 = tpu.memref_slice %arg31[%arg1, %dma_wait3A_424, %dma_wait3A_425] : memref<16x64x256xf32, #tpu.memory_space<vmem_shared>> -> memref<1x64x256xf32, #tpu.memory_space<vmem_shared>>
      %dma_wait3A_427 = tpu.memref_squeeze %dma_wait3A_426 : memref<1x64x256xf32, #tpu.memory_space<vmem_shared>> -> memref<64x256xf32, #tpu.memory_space<vmem_shared>>
      tpu.wait_dma2 semaphore(%arg28 : memref<!tpu.dma_semaphore, #tpu.memory_space<semaphore_mem>>) src(%dma_wait3A_427 : memref<64x256xf32, #tpu.memory_space<vmem_shared>>) dst(%dma_wait3A_423 : memref<64x256xf32, #tpu.memory_space<hbm>>)
      %mul3A_428 = arith.constant 64 : i32
      %mul3A_429 = arith.muli %add3A_345, %mul3A_428 : i32
      %add3A_430 = arith.addi %mul3A_2, %mul3A_429 : i32
      %dma_start3A_431 = arith.constant 256 : i32
      %dma_start3A_432 = tpu.memref_slice %arg10[%add3A_430, %dma_start3A_431] : memref<32768x1024xf32, #tpu.memory_space<hbm>> -> memref<64x256xf32, #tpu.memory_space<hbm>>
      %dma_start3A_433 = arith.constant 0 : i32
      %dma_start3A_434 = arith.constant 0 : i32
      %dma_start3A_435 = tpu.memref_slice %arg31[%arg1, %dma_start3A_433, %dma_start3A_434] : memref<16x64x256xf32, #tpu.memory_space<vmem_shared>> -> memref<1x64x256xf32, #tpu.memory_space<vmem_shared>>
      %dma_start3A_436 = tpu.memref_squeeze %dma_start3A_435 : memref<1x64x256xf32, #tpu.memory_space<vmem_shared>> -> memref<64x256xf32, #tpu.memory_space<vmem_shared>>
      tpu.enqueue_dma source(%dma_start3A_436 : memref<64x256xf32, #tpu.memory_space<vmem_shared>>) target(%dma_start3A_432 : memref<64x256xf32, #tpu.memory_space<hbm>>) target_semaphore(%arg28 : memref<!tpu.dma_semaphore, #tpu.memory_space<semaphore_mem>>)
      %add3A_437 = arith.constant 1 : i32
      %add3A_438 = arith.addi %add3A_345, %add3A_437 : i32
      %mul3A_439 = arith.constant 64 : i32
      %mul3A_440 = arith.muli %add3A_438, %mul3A_439 : i32
      %dma_start3A_441 = tpu.memref_slice %arg12[%mul3A_440] : memref<1024xi32, #tpu.memory_space<vmem>> -> memref<64xi32, #tpu.memory_space<vmem>>
      %dma_start3A_442 = arith.constant 0 : i32
      %dma_start3A_443 = arith.constant 0 : i32
      %dma_start3A_444 = tpu.memref_slice %arg7[%dma_start3A_442, %dma_start3A_443] : memref<1000x256xf32, #tpu.memory_space<hbm>> -> memref<1000x256xf32, #tpu.memory_space<hbm>>
      tpu.enqueue_indirect_dma source(%dma_start3A_444 : memref<1000x256xf32, #tpu.memory_space<hbm>>) target(%arg16 : memref<64x256xf32, #tpu.memory_space<vmem>>) offsets(%dma_start3A_441 : memref<64xi32, #tpu.memory_space<vmem>>) semaphore(%arg20 : memref<!tpu.dma_semaphore, #tpu.memory_space<semaphore_mem>>)
      %mul3A_445 = arith.constant 64 : i32
      %mul3A_446 = arith.muli %add3A_345, %mul3A_445 : i32
      %dma_wait3A_447 = tpu.memref_slice %arg13[%mul3A_446] : memref<1024xi32, #tpu.memory_space<vmem>> -> memref<64xi32, #tpu.memory_space<vmem>>
      %dma_wait3A_448 = arith.constant 0 : i32
      %dma_wait3A_449 = arith.constant 0 : i32
      %dma_wait3A_450 = tpu.memref_slice %arg8[%dma_wait3A_448, %dma_wait3A_449] : memref<1000x256xf32, #tpu.memory_space<hbm>> -> memref<1000x256xf32, #tpu.memory_space<hbm>>
      tpu.wait_indirect_dma semaphore(%arg21 : memref<!tpu.dma_semaphore, #tpu.memory_space<semaphore_mem>>) src(%dma_wait3A_450 : memref<1000x256xf32, #tpu.memory_space<hbm>>) dst(%arg17 : memref<64x256xf32, #tpu.memory_space<vmem>>)
      %dma_start3A_451 = arith.constant 0 : i32
      %dma_start3A_452 = arith.constant 0 : i32
      %dma_start3A_453 = tpu.memref_slice %arg31[%arg1, %dma_start3A_451, %dma_start3A_452] : memref<16x64x256xf32, #tpu.memory_space<vmem_shared>> -> memref<1x64x256xf32, #tpu.memory_space<vmem_shared>>
      %dma_start3A_454 = tpu.memref_squeeze %dma_start3A_453 : memref<1x64x256xf32, #tpu.memory_space<vmem_shared>> -> memref<64x256xf32, #tpu.memory_space<vmem_shared>>
      %dma_start3A_455 = arith.constant 0 : i32
      %dma_start3A_456 = arith.constant 0 : i32
      %dma_start3A_457 = tpu.memref_slice %arg31[%arg1, %dma_start3A_455, %dma_start3A_456] : memref<16x64x256xf32, #tpu.memory_space<vmem_shared>> -> memref<1x64x256xf32, #tpu.memory_space<vmem_shared>>
      %dma_start3A_458 = tpu.memref_squeeze %dma_start3A_457 : memref<1x64x256xf32, #tpu.memory_space<vmem_shared>> -> memref<64x256xf32, #tpu.memory_space<vmem_shared>>
      tpu.enqueue_dma source(%arg17 : memref<64x256xf32, #tpu.memory_space<vmem>>) target(%dma_start3A_458 : memref<64x256xf32, #tpu.memory_space<vmem_shared>>) target_semaphore(%arg25 : memref<!tpu.dma_semaphore, #tpu.memory_space<semaphore_mem>>)
      %dma_wait3A_459 = arith.constant 0 : i32
      %dma_wait3A_460 = arith.constant 0 : i32
      %dma_wait3A_461 = tpu.memref_slice %arg31[%arg1, %dma_wait3A_459, %dma_wait3A_460] : memref<16x64x256xf32, #tpu.memory_space<vmem_shared>> -> memref<1x64x256xf32, #tpu.memory_space<vmem_shared>>
      %dma_wait3A_462 = tpu.memref_squeeze %dma_wait3A_461 : memref<1x64x256xf32, #tpu.memory_space<vmem_shared>> -> memref<64x256xf32, #tpu.memory_space<vmem_shared>>
      %dma_wait3A_463 = arith.constant 0 : i32
      %dma_wait3A_464 = arith.constant 0 : i32
      %dma_wait3A_465 = tpu.memref_slice %arg31[%arg1, %dma_wait3A_463, %dma_wait3A_464] : memref<16x64x256xf32, #tpu.memory_space<vmem_shared>> -> memref<1x64x256xf32, #tpu.memory_space<vmem_shared>>
      %dma_wait3A_466 = tpu.memref_squeeze %dma_wait3A_465 : memref<1x64x256xf32, #tpu.memory_space<vmem_shared>> -> memref<64x256xf32, #tpu.memory_space<vmem_shared>>
      tpu.wait_dma2 semaphore(%arg25 : memref<!tpu.dma_semaphore, #tpu.memory_space<semaphore_mem>>) src(%arg17 : memref<64x256xf32, #tpu.memory_space<vmem>>) dst(%dma_wait3A_466 : memref<64x256xf32, #tpu.memory_space<vmem_shared>>)
      %sub3A_467 = arith.constant 1 : i32
      %sub3A_468 = arith.subi %add3A_345, %sub3A_467 : i32
      %mul3A_469 = arith.constant 64 : i32
      %mul3A_470 = arith.muli %sub3A_468, %mul3A_469 : i32
      %add3A_471 = arith.addi %mul3A_2, %mul3A_470 : i32
      %dma_wait3A_472 = arith.constant 512 : i32
      %dma_wait3A_473 = tpu.memref_slice %arg10[%add3A_471, %dma_wait3A_472] : memref<32768x1024xf32, #tpu.memory_space<hbm>> -> memref<64x256xf32, #tpu.memory_space<hbm>>
      %dma_wait3A_474 = arith.constant 0 : i32
      %dma_wait3A_475 = arith.constant 0 : i32
      %dma_wait3A_476 = tpu.memref_slice %arg31[%arg1, %dma_wait3A_474, %dma_wait3A_475] : memref<16x64x256xf32, #tpu.memory_space<vmem_shared>> -> memref<1x64x256xf32, #tpu.memory_space<vmem_shared>>
      %dma_wait3A_477 = tpu.memref_squeeze %dma_wait3A_476 : memref<1x64x256xf32, #tpu.memory_space<vmem_shared>> -> memref<64x256xf32, #tpu.memory_space<vmem_shared>>
      tpu.wait_dma2 semaphore(%arg29 : memref<!tpu.dma_semaphore, #tpu.memory_space<semaphore_mem>>) src(%dma_wait3A_477 : memref<64x256xf32, #tpu.memory_space<vmem_shared>>) dst(%dma_wait3A_473 : memref<64x256xf32, #tpu.memory_space<hbm>>)
      %mul3A_478 = arith.constant 64 : i32
      %mul3A_479 = arith.muli %add3A_345, %mul3A_478 : i32
      %add3A_480 = arith.addi %mul3A_2, %mul3A_479 : i32
      %dma_start3A_481 = arith.constant 512 : i32
      %dma_start3A_482 = tpu.memref_slice %arg10[%add3A_480, %dma_start3A_481] : memref<32768x1024xf32, #tpu.memory_space<hbm>> -> memref<64x256xf32, #tpu.memory_space<hbm>>
      %dma_start3A_483 = arith.constant 0 : i32
      %dma_start3A_484 = arith.constant 0 : i32
      %dma_start3A_485 = tpu.memref_slice %arg31[%arg1, %dma_start3A_483, %dma_start3A_484] : memref<16x64x256xf32, #tpu.memory_space<vmem_shared>> -> memref<1x64x256xf32, #tpu.memory_space<vmem_shared>>
      %dma_start3A_486 = tpu.memref_squeeze %dma_start3A_485 : memref<1x64x256xf32, #tpu.memory_space<vmem_shared>> -> memref<64x256xf32, #tpu.memory_space<vmem_shared>>
      tpu.enqueue_dma source(%dma_start3A_486 : memref<64x256xf32, #tpu.memory_space<vmem_shared>>) target(%dma_start3A_482 : memref<64x256xf32, #tpu.memory_space<hbm>>) target_semaphore(%arg29 : memref<!tpu.dma_semaphore, #tpu.memory_space<semaphore_mem>>)
      %add3A_487 = arith.constant 1 : i32
      %add3A_488 = arith.addi %add3A_345, %add3A_487 : i32
      %mul3A_489 = arith.constant 64 : i32
      %mul3A_490 = arith.muli %add3A_488, %mul3A_489 : i32
      %dma_start3A_491 = tpu.memref_slice %arg13[%mul3A_490] : memref<1024xi32, #tpu.memory_space<vmem>> -> memref<64xi32, #tpu.memory_space<vmem>>
      %dma_start3A_492 = arith.constant 0 : i32
      %dma_start3A_493 = arith.constant 0 : i32
      %dma_start3A_494 = tpu.memref_slice %arg8[%dma_start3A_492, %dma_start3A_493] : memref<1000x256xf32, #tpu.memory_space<hbm>> -> memref<1000x256xf32, #tpu.memory_space<hbm>>
      tpu.enqueue_indirect_dma source(%dma_start3A_494 : memref<1000x256xf32, #tpu.memory_space<hbm>>) target(%arg17 : memref<64x256xf32, #tpu.memory_space<vmem>>) offsets(%dma_start3A_491 : memref<64xi32, #tpu.memory_space<vmem>>) semaphore(%arg21 : memref<!tpu.dma_semaphore, #tpu.memory_space<semaphore_mem>>)
      %mul3A_495 = arith.constant 64 : i32
      %mul3A_496 = arith.muli %add3A_345, %mul3A_495 : i32
      %dma_wait3A_497 = tpu.memref_slice %arg14[%mul3A_496] : memref<1024xi32, #tpu.memory_space<vmem>> -> memref<64xi32, #tpu.memory_space<vmem>>
      %dma_wait3A_498 = arith.constant 0 : i32
      %dma_wait3A_499 = arith.constant 0 : i32
      %dma_wait3A_500 = tpu.memref_slice %arg9[%dma_wait3A_498, %dma_wait3A_499] : memref<1000x256xf32, #tpu.memory_space<hbm>> -> memref<1000x256xf32, #tpu.memory_space<hbm>>
      tpu.wait_indirect_dma semaphore(%arg22 : memref<!tpu.dma_semaphore, #tpu.memory_space<semaphore_mem>>) src(%dma_wait3A_500 : memref<1000x256xf32, #tpu.memory_space<hbm>>) dst(%arg18 : memref<64x256xf32, #tpu.memory_space<vmem>>)
      %dma_start3A_501 = arith.constant 0 : i32
      %dma_start3A_502 = arith.constant 0 : i32
      %dma_start3A_503 = tpu.memref_slice %arg31[%arg1, %dma_start3A_501, %dma_start3A_502] : memref<16x64x256xf32, #tpu.memory_space<vmem_shared>> -> memref<1x64x256xf32, #tpu.memory_space<vmem_shared>>
      %dma_start3A_504 = tpu.memref_squeeze %dma_start3A_503 : memref<1x64x256xf32, #tpu.memory_space<vmem_shared>> -> memref<64x256xf32, #tpu.memory_space<vmem_shared>>
      %dma_start3A_505 = arith.constant 0 : i32
      %dma_start3A_506 = arith.constant 0 : i32
      %dma_start3A_507 = tpu.memref_slice %arg31[%arg1, %dma_start3A_505, %dma_start3A_506] : memref<16x64x256xf32, #tpu.memory_space<vmem_shared>> -> memref<1x64x256xf32, #tpu.memory_space<vmem_shared>>
      %dma_start3A_508 = tpu.memref_squeeze %dma_start3A_507 : memref<1x64x256xf32, #tpu.memory_space<vmem_shared>> -> memref<64x256xf32, #tpu.memory_space<vmem_shared>>
      tpu.enqueue_dma source(%arg18 : memref<64x256xf32, #tpu.memory_space<vmem>>) target(%dma_start3A_508 : memref<64x256xf32, #tpu.memory_space<vmem_shared>>) target_semaphore(%arg26 : memref<!tpu.dma_semaphore, #tpu.memory_space<semaphore_mem>>)
      %dma_wait3A_509 = arith.constant 0 : i32
      %dma_wait3A_510 = arith.constant 0 : i32
      %dma_wait3A_511 = tpu.memref_slice %arg31[%arg1, %dma_wait3A_509, %dma_wait3A_510] : memref<16x64x256xf32, #tpu.memory_space<vmem_shared>> -> memref<1x64x256xf32, #tpu.memory_space<vmem_shared>>
      %dma_wait3A_512 = tpu.memref_squeeze %dma_wait3A_511 : memref<1x64x256xf32, #tpu.memory_space<vmem_shared>> -> memref<64x256xf32, #tpu.memory_space<vmem_shared>>
      %dma_wait3A_513 = arith.constant 0 : i32
      %dma_wait3A_514 = arith.constant 0 : i32
      %dma_wait3A_515 = tpu.memref_slice %arg31[%arg1, %dma_wait3A_513, %dma_wait3A_514] : memref<16x64x256xf32, #tpu.memory_space<vmem_shared>> -> memref<1x64x256xf32, #tpu.memory_space<vmem_shared>>
      %dma_wait3A_516 = tpu.memref_squeeze %dma_wait3A_515 : memref<1x64x256xf32, #tpu.memory_space<vmem_shared>> -> memref<64x256xf32, #tpu.memory_space<vmem_shared>>
      tpu.wait_dma2 semaphore(%arg26 : memref<!tpu.dma_semaphore, #tpu.memory_space<semaphore_mem>>) src(%arg18 : memref<64x256xf32, #tpu.memory_space<vmem>>) dst(%dma_wait3A_516 : memref<64x256xf32, #tpu.memory_space<vmem_shared>>)
      %sub3A_517 = arith.constant 1 : i32
      %sub3A_518 = arith.subi %add3A_345, %sub3A_517 : i32
      %mul3A_519 = arith.constant 64 : i32
      %mul3A_520 = arith.muli %sub3A_518, %mul3A_519 : i32
      %add3A_521 = arith.addi %mul3A_2, %mul3A_520 : i32
      %dma_wait3A_522 = arith.constant 768 : i32
      %dma_wait3A_523 = tpu.memref_slice %arg10[%add3A_521, %dma_wait3A_522] : memref<32768x1024xf32, #tpu.memory_space<hbm>> -> memref<64x256xf32, #tpu.memory_space<hbm>>
      %dma_wait3A_524 = arith.constant 0 : i32
      %dma_wait3A_525 = arith.constant 0 : i32
      %dma_wait3A_526 = tpu.memref_slice %arg31[%arg1, %dma_wait3A_524, %dma_wait3A_525] : memref<16x64x256xf32, #tpu.memory_space<vmem_shared>> -> memref<1x64x256xf32, #tpu.memory_space<vmem_shared>>
      %dma_wait3A_527 = tpu.memref_squeeze %dma_wait3A_526 : memref<1x64x256xf32, #tpu.memory_space<vmem_shared>> -> memref<64x256xf32, #tpu.memory_space<vmem_shared>>
      tpu.wait_dma2 semaphore(%arg30 : memref<!tpu.dma_semaphore, #tpu.memory_space<semaphore_mem>>) src(%dma_wait3A_527 : memref<64x256xf32, #tpu.memory_space<vmem_shared>>) dst(%dma_wait3A_523 : memref<64x256xf32, #tpu.memory_space<hbm>>)
      %mul3A_528 = arith.constant 64 : i32
      %mul3A_529 = arith.muli %add3A_345, %mul3A_528 : i32
      %add3A_530 = arith.addi %mul3A_2, %mul3A_529 : i32
      %dma_start3A_531 = arith.constant 768 : i32
      %dma_start3A_532 = tpu.memref_slice %arg10[%add3A_530, %dma_start3A_531] : memref<32768x1024xf32, #tpu.memory_space<hbm>> -> memref<64x256xf32, #tpu.memory_space<hbm>>
      %dma_start3A_533 = arith.constant 0 : i32
      %dma_start3A_534 = arith.constant 0 : i32
      %dma_start3A_535 = tpu.memref_slice %arg31[%arg1, %dma_start3A_533, %dma_start3A_534] : memref<16x64x256xf32, #tpu.memory_space<vmem_shared>> -> memref<1x64x256xf32, #tpu.memory_space<vmem_shared>>
      %dma_start3A_536 = tpu.memref_squeeze %dma_start3A_535 : memref<1x64x256xf32, #tpu.memory_space<vmem_shared>> -> memref<64x256xf32, #tpu.memory_space<vmem_shared>>
      tpu.enqueue_dma source(%dma_start3A_536 : memref<64x256xf32, #tpu.memory_space<vmem_shared>>) target(%dma_start3A_532 : memref<64x256xf32, #tpu.memory_space<hbm>>) target_semaphore(%arg30 : memref<!tpu.dma_semaphore, #tpu.memory_space<semaphore_mem>>)
      %add3A_537 = arith.constant 1 : i32
      %add3A_538 = arith.addi %add3A_345, %add3A_537 : i32
      %mul3A_539 = arith.constant 64 : i32
      %mul3A_540 = arith.muli %add3A_538, %mul3A_539 : i32
      %dma_start3A_541 = tpu.memref_slice %arg14[%mul3A_540] : memref<1024xi32, #tpu.memory_space<vmem>> -> memref<64xi32, #tpu.memory_space<vmem>>
      %dma_start3A_542 = arith.constant 0 : i32
      %dma_start3A_543 = arith.constant 0 : i32
      %dma_start3A_544 = tpu.memref_slice %arg9[%dma_start3A_542, %dma_start3A_543] : memref<1000x256xf32, #tpu.memory_space<hbm>> -> memref<1000x256xf32, #tpu.memory_space<hbm>>
      tpu.enqueue_indirect_dma source(%dma_start3A_544 : memref<1000x256xf32, #tpu.memory_space<hbm>>) target(%arg18 : memref<64x256xf32, #tpu.memory_space<vmem>>) offsets(%dma_start3A_541 : memref<64xi32, #tpu.memory_space<vmem>>) semaphore(%arg22 : memref<!tpu.dma_semaphore, #tpu.memory_space<semaphore_mem>>)
    }
    %scan3A_160 = arith.constant 14 : i32
    %dma_wait3A_161 = arith.constant 960 : i32
    %dma_wait3A_162 = tpu.memref_slice %arg11[%dma_wait3A_161] : memref<1024xi32, #tpu.memory_space<vmem>> -> memref<64xi32, #tpu.memory_space<vmem>>
    %dma_wait3A_163 = arith.constant 0 : i32
    %dma_wait3A_164 = arith.constant 0 : i32
    %dma_wait3A_165 = tpu.memref_slice %arg6[%dma_wait3A_163, %dma_wait3A_164] : memref<1000x256xf32, #tpu.memory_space<hbm>> -> memref<1000x256xf32, #tpu.memory_space<hbm>>
    tpu.wait_indirect_dma semaphore(%arg19 : memref<!tpu.dma_semaphore, #tpu.memory_space<semaphore_mem>>) src(%dma_wait3A_165 : memref<1000x256xf32, #tpu.memory_space<hbm>>) dst(%arg15 : memref<64x256xf32, #tpu.memory_space<vmem>>)
    %dma_start3A_166 = arith.constant 0 : i32
    %dma_start3A_167 = arith.constant 0 : i32
    %dma_start3A_168 = tpu.memref_slice %arg31[%arg1, %dma_start3A_166, %dma_start3A_167] : memref<16x64x256xf32, #tpu.memory_space<vmem_shared>> -> memref<1x64x256xf32, #tpu.memory_space<vmem_shared>>
    %dma_start3A_169 = tpu.memref_squeeze %dma_start3A_168 : memref<1x64x256xf32, #tpu.memory_space<vmem_shared>> -> memref<64x256xf32, #tpu.memory_space<vmem_shared>>
    %dma_start3A_170 = arith.constant 0 : i32
    %dma_start3A_171 = arith.constant 0 : i32
    %dma_start3A_172 = tpu.memref_slice %arg31[%arg1, %dma_start3A_170, %dma_start3A_171] : memref<16x64x256xf32, #tpu.memory_space<vmem_shared>> -> memref<1x64x256xf32, #tpu.memory_space<vmem_shared>>
    %dma_start3A_173 = tpu.memref_squeeze %dma_start3A_172 : memref<1x64x256xf32, #tpu.memory_space<vmem_shared>> -> memref<64x256xf32, #tpu.memory_space<vmem_shared>>
    tpu.enqueue_dma source(%arg15 : memref<64x256xf32, #tpu.memory_space<vmem>>) target(%dma_start3A_173 : memref<64x256xf32, #tpu.memory_space<vmem_shared>>) target_semaphore(%arg23 : memref<!tpu.dma_semaphore, #tpu.memory_space<semaphore_mem>>)
    %dma_wait3A_174 = arith.constant 0 : i32
    %dma_wait3A_175 = arith.constant 0 : i32
    %dma_wait3A_176 = tpu.memref_slice %arg31[%arg1, %dma_wait3A_174, %dma_wait3A_175] : memref<16x64x256xf32, #tpu.memory_space<vmem_shared>> -> memref<1x64x256xf32, #tpu.memory_space<vmem_shared>>
    %dma_wait3A_177 = tpu.memref_squeeze %dma_wait3A_176 : memref<1x64x256xf32, #tpu.memory_space<vmem_shared>> -> memref<64x256xf32, #tpu.memory_space<vmem_shared>>
    %dma_wait3A_178 = arith.constant 0 : i32
    %dma_wait3A_179 = arith.constant 0 : i32
    %dma_wait3A_180 = tpu.memref_slice %arg31[%arg1, %dma_wait3A_178, %dma_wait3A_179] : memref<16x64x256xf32, #tpu.memory_space<vmem_shared>> -> memref<1x64x256xf32, #tpu.memory_space<vmem_shared>>
    %dma_wait3A_181 = tpu.memref_squeeze %dma_wait3A_180 : memref<1x64x256xf32, #tpu.memory_space<vmem_shared>> -> memref<64x256xf32, #tpu.memory_space<vmem_shared>>
    tpu.wait_dma2 semaphore(%arg23 : memref<!tpu.dma_semaphore, #tpu.memory_space<semaphore_mem>>) src(%arg15 : memref<64x256xf32, #tpu.memory_space<vmem>>) dst(%dma_wait3A_181 : memref<64x256xf32, #tpu.memory_space<vmem_shared>>)
    %add3A_182 = arith.constant 896 : i32
    %add3A_183 = arith.addi %mul3A_2, %add3A_182 : i32
    %dma_wait3A_184 = arith.constant 0 : i32
    %dma_wait3A_185 = tpu.memref_slice %arg10[%add3A_183, %dma_wait3A_184] : memref<32768x1024xf32, #tpu.memory_space<hbm>> -> memref<64x256xf32, #tpu.memory_space<hbm>>
    %dma_wait3A_186 = arith.constant 0 : i32
    %dma_wait3A_187 = arith.constant 0 : i32
    %dma_wait3A_188 = tpu.memref_slice %arg31[%arg1, %dma_wait3A_186, %dma_wait3A_187] : memref<16x64x256xf32, #tpu.memory_space<vmem_shared>> -> memref<1x64x256xf32, #tpu.memory_space<vmem_shared>>
    %dma_wait3A_189 = tpu.memref_squeeze %dma_wait3A_188 : memref<1x64x256xf32, #tpu.memory_space<vmem_shared>> -> memref<64x256xf32, #tpu.memory_space<vmem_shared>>
    tpu.wait_dma2 semaphore(%arg27 : memref<!tpu.dma_semaphore, #tpu.memory_space<semaphore_mem>>) src(%dma_wait3A_189 : memref<64x256xf32, #tpu.memory_space<vmem_shared>>) dst(%dma_wait3A_185 : memref<64x256xf32, #tpu.memory_space<hbm>>)
    %add3A_190 = arith.constant 960 : i32
    %add3A_191 = arith.addi %mul3A_2, %add3A_190 : i32
    %dma_start3A_192 = arith.constant 0 : i32
    %dma_start3A_193 = tpu.memref_slice %arg10[%add3A_191, %dma_start3A_192] : memref<32768x1024xf32, #tpu.memory_space<hbm>> -> memref<64x256xf32, #tpu.memory_space<hbm>>
    %dma_start3A_194 = arith.constant 0 : i32
    %dma_start3A_195 = arith.constant 0 : i32
    %dma_start3A_196 = tpu.memref_slice %arg31[%arg1, %dma_start3A_194, %dma_start3A_195] : memref<16x64x256xf32, #tpu.memory_space<vmem_shared>> -> memref<1x64x256xf32, #tpu.memory_space<vmem_shared>>
    %dma_start3A_197 = tpu.memref_squeeze %dma_start3A_196 : memref<1x64x256xf32, #tpu.memory_space<vmem_shared>> -> memref<64x256xf32, #tpu.memory_space<vmem_shared>>
    tpu.enqueue_dma source(%dma_start3A_197 : memref<64x256xf32, #tpu.memory_space<vmem_shared>>) target(%dma_start3A_193 : memref<64x256xf32, #tpu.memory_space<hbm>>) target_semaphore(%arg27 : memref<!tpu.dma_semaphore, #tpu.memory_space<semaphore_mem>>)
    %dma_wait3A_198 = arith.constant 960 : i32
    %dma_wait3A_199 = tpu.memref_slice %arg12[%dma_wait3A_198] : memref<1024xi32, #tpu.memory_space<vmem>> -> memref<64xi32, #tpu.memory_space<vmem>>
    %dma_wait3A_200 = arith.constant 0 : i32
    %dma_wait3A_201 = arith.constant 0 : i32
    %dma_wait3A_202 = tpu.memref_slice %arg7[%dma_wait3A_200, %dma_wait3A_201] : memref<1000x256xf32, #tpu.memory_space<hbm>> -> memref<1000x256xf32, #tpu.memory_space<hbm>>
    tpu.wait_indirect_dma semaphore(%arg20 : memref<!tpu.dma_semaphore, #tpu.memory_space<semaphore_mem>>) src(%dma_wait3A_202 : memref<1000x256xf32, #tpu.memory_space<hbm>>) dst(%arg16 : memref<64x256xf32, #tpu.memory_space<vmem>>)
    %dma_start3A_203 = arith.constant 0 : i32
    %dma_start3A_204 = arith.constant 0 : i32
    %dma_start3A_205 = tpu.memref_slice %arg31[%arg1, %dma_start3A_203, %dma_start3A_204] : memref<16x64x256xf32, #tpu.memory_space<vmem_shared>> -> memref<1x64x256xf32, #tpu.memory_space<vmem_shared>>
    %dma_start3A_206 = tpu.memref_squeeze %dma_start3A_205 : memref<1x64x256xf32, #tpu.memory_space<vmem_shared>> -> memref<64x256xf32, #tpu.memory_space<vmem_shared>>
    %dma_start3A_207 = arith.constant 0 : i32
    %dma_start3A_208 = arith.constant 0 : i32
    %dma_start3A_209 = tpu.memref_slice %arg31[%arg1, %dma_start3A_207, %dma_start3A_208] : memref<16x64x256xf32, #tpu.memory_space<vmem_shared>> -> memref<1x64x256xf32, #tpu.memory_space<vmem_shared>>
    %dma_start3A_210 = tpu.memref_squeeze %dma_start3A_209 : memref<1x64x256xf32, #tpu.memory_space<vmem_shared>> -> memref<64x256xf32, #tpu.memory_space<vmem_shared>>
    tpu.enqueue_dma source(%arg16 : memref<64x256xf32, #tpu.memory_space<vmem>>) target(%dma_start3A_210 : memref<64x256xf32, #tpu.memory_space<vmem_shared>>) target_semaphore(%arg24 : memref<!tpu.dma_semaphore, #tpu.memory_space<semaphore_mem>>)
    %dma_wait3A_211 = arith.constant 0 : i32
    %dma_wait3A_212 = arith.constant 0 : i32
    %dma_wait3A_213 = tpu.memref_slice %arg31[%arg1, %dma_wait3A_211, %dma_wait3A_212] : memref<16x64x256xf32, #tpu.memory_space<vmem_shared>> -> memref<1x64x256xf32, #tpu.memory_space<vmem_shared>>
    %dma_wait3A_214 = tpu.memref_squeeze %dma_wait3A_213 : memref<1x64x256xf32, #tpu.memory_space<vmem_shared>> -> memref<64x256xf32, #tpu.memory_space<vmem_shared>>
    %dma_wait3A_215 = arith.constant 0 : i32
    %dma_wait3A_216 = arith.constant 0 : i32
    %dma_wait3A_217 = tpu.memref_slice %arg31[%arg1, %dma_wait3A_215, %dma_wait3A_216] : memref<16x64x256xf32, #tpu.memory_space<vmem_shared>> -> memref<1x64x256xf32, #tpu.memory_space<vmem_shared>>
    %dma_wait3A_218 = tpu.memref_squeeze %dma_wait3A_217 : memref<1x64x256xf32, #tpu.memory_space<vmem_shared>> -> memref<64x256xf32, #tpu.memory_space<vmem_shared>>
    tpu.wait_dma2 semaphore(%arg24 : memref<!tpu.dma_semaphore, #tpu.memory_space<semaphore_mem>>) src(%arg16 : memref<64x256xf32, #tpu.memory_space<vmem>>) dst(%dma_wait3A_218 : memref<64x256xf32, #tpu.memory_space<vmem_shared>>)
    %add3A_219 = arith.constant 896 : i32
    %add3A_220 = arith.addi %mul3A_2, %add3A_219 : i32
    %dma_wait3A_221 = arith.constant 256 : i32
    %dma_wait3A_222 = tpu.memref_slice %arg10[%add3A_220, %dma_wait3A_221] : memref<32768x1024xf32, #tpu.memory_space<hbm>> -> memref<64x256xf32, #tpu.memory_space<hbm>>
    %dma_wait3A_223 = arith.constant 0 : i32
    %dma_wait3A_224 = arith.constant 0 : i32
    %dma_wait3A_225 = tpu.memref_slice %arg31[%arg1, %dma_wait3A_223, %dma_wait3A_224] : memref<16x64x256xf32, #tpu.memory_space<vmem_shared>> -> memref<1x64x256xf32, #tpu.memory_space<vmem_shared>>
    %dma_wait3A_226 = tpu.memref_squeeze %dma_wait3A_225 : memref<1x64x256xf32, #tpu.memory_space<vmem_shared>> -> memref<64x256xf32, #tpu.memory_space<vmem_shared>>
    tpu.wait_dma2 semaphore(%arg28 : memref<!tpu.dma_semaphore, #tpu.memory_space<semaphore_mem>>) src(%dma_wait3A_226 : memref<64x256xf32, #tpu.memory_space<vmem_shared>>) dst(%dma_wait3A_222 : memref<64x256xf32, #tpu.memory_space<hbm>>)
    %add3A_227 = arith.constant 960 : i32
    %add3A_228 = arith.addi %mul3A_2, %add3A_227 : i32
    %dma_start3A_229 = arith.constant 256 : i32
    %dma_start3A_230 = tpu.memref_slice %arg10[%add3A_228, %dma_start3A_229] : memref<32768x1024xf32, #tpu.memory_space<hbm>> -> memref<64x256xf32, #tpu.memory_space<hbm>>
    %dma_start3A_231 = arith.constant 0 : i32
    %dma_start3A_232 = arith.constant 0 : i32
    %dma_start3A_233 = tpu.memref_slice %arg31[%arg1, %dma_start3A_231, %dma_start3A_232] : memref<16x64x256xf32, #tpu.memory_space<vmem_shared>> -> memref<1x64x256xf32, #tpu.memory_space<vmem_shared>>
    %dma_start3A_234 = tpu.memref_squeeze %dma_start3A_233 : memref<1x64x256xf32, #tpu.memory_space<vmem_shared>> -> memref<64x256xf32, #tpu.memory_space<vmem_shared>>
    tpu.enqueue_dma source(%dma_start3A_234 : memref<64x256xf32, #tpu.memory_space<vmem_shared>>) target(%dma_start3A_230 : memref<64x256xf32, #tpu.memory_space<hbm>>) target_semaphore(%arg28 : memref<!tpu.dma_semaphore, #tpu.memory_space<semaphore_mem>>)
    %dma_wait3A_235 = arith.constant 960 : i32
    %dma_wait3A_236 = tpu.memref_slice %arg13[%dma_wait3A_235] : memref<1024xi32, #tpu.memory_space<vmem>> -> memref<64xi32, #tpu.memory_space<vmem>>
    %dma_wait3A_237 = arith.constant 0 : i32
    %dma_wait3A_238 = arith.constant 0 : i32
    %dma_wait3A_239 = tpu.memref_slice %arg8[%dma_wait3A_237, %dma_wait3A_238] : memref<1000x256xf32, #tpu.memory_space<hbm>> -> memref<1000x256xf32, #tpu.memory_space<hbm>>
    tpu.wait_indirect_dma semaphore(%arg21 : memref<!tpu.dma_semaphore, #tpu.memory_space<semaphore_mem>>) src(%dma_wait3A_239 : memref<1000x256xf32, #tpu.memory_space<hbm>>) dst(%arg17 : memref<64x256xf32, #tpu.memory_space<vmem>>)
    %dma_start3A_240 = arith.constant 0 : i32
    %dma_start3A_241 = arith.constant 0 : i32
    %dma_start3A_242 = tpu.memref_slice %arg31[%arg1, %dma_start3A_240, %dma_start3A_241] : memref<16x64x256xf32, #tpu.memory_space<vmem_shared>> -> memref<1x64x256xf32, #tpu.memory_space<vmem_shared>>
    %dma_start3A_243 = tpu.memref_squeeze %dma_start3A_242 : memref<1x64x256xf32, #tpu.memory_space<vmem_shared>> -> memref<64x256xf32, #tpu.memory_space<vmem_shared>>
    %dma_start3A_244 = arith.constant 0 : i32
    %dma_start3A_245 = arith.constant 0 : i32
    %dma_start3A_246 = tpu.memref_slice %arg31[%arg1, %dma_start3A_244, %dma_start3A_245] : memref<16x64x256xf32, #tpu.memory_space<vmem_shared>> -> memref<1x64x256xf32, #tpu.memory_space<vmem_shared>>
    %dma_start3A_247 = tpu.memref_squeeze %dma_start3A_246 : memref<1x64x256xf32, #tpu.memory_space<vmem_shared>> -> memref<64x256xf32, #tpu.memory_space<vmem_shared>>
    tpu.enqueue_dma source(%arg17 : memref<64x256xf32, #tpu.memory_space<vmem>>) target(%dma_start3A_247 : memref<64x256xf32, #tpu.memory_space<vmem_shared>>) target_semaphore(%arg25 : memref<!tpu.dma_semaphore, #tpu.memory_space<semaphore_mem>>)
    %dma_wait3A_248 = arith.constant 0 : i32
    %dma_wait3A_249 = arith.constant 0 : i32
    %dma_wait3A_250 = tpu.memref_slice %arg31[%arg1, %dma_wait3A_248, %dma_wait3A_249] : memref<16x64x256xf32, #tpu.memory_space<vmem_shared>> -> memref<1x64x256xf32, #tpu.memory_space<vmem_shared>>
    %dma_wait3A_251 = tpu.memref_squeeze %dma_wait3A_250 : memref<1x64x256xf32, #tpu.memory_space<vmem_shared>> -> memref<64x256xf32, #tpu.memory_space<vmem_shared>>
    %dma_wait3A_252 = arith.constant 0 : i32
    %dma_wait3A_253 = arith.constant 0 : i32
    %dma_wait3A_254 = tpu.memref_slice %arg31[%arg1, %dma_wait3A_252, %dma_wait3A_253] : memref<16x64x256xf32, #tpu.memory_space<vmem_shared>> -> memref<1x64x256xf32, #tpu.memory_space<vmem_shared>>
    %dma_wait3A_255 = tpu.memref_squeeze %dma_wait3A_254 : memref<1x64x256xf32, #tpu.memory_space<vmem_shared>> -> memref<64x256xf32, #tpu.memory_space<vmem_shared>>
    tpu.wait_dma2 semaphore(%arg25 : memref<!tpu.dma_semaphore, #tpu.memory_space<semaphore_mem>>) src(%arg17 : memref<64x256xf32, #tpu.memory_space<vmem>>) dst(%dma_wait3A_255 : memref<64x256xf32, #tpu.memory_space<vmem_shared>>)
    %add3A_256 = arith.constant 896 : i32
    %add3A_257 = arith.addi %mul3A_2, %add3A_256 : i32
    %dma_wait3A_258 = arith.constant 512 : i32
    %dma_wait3A_259 = tpu.memref_slice %arg10[%add3A_257, %dma_wait3A_258] : memref<32768x1024xf32, #tpu.memory_space<hbm>> -> memref<64x256xf32, #tpu.memory_space<hbm>>
    %dma_wait3A_260 = arith.constant 0 : i32
    %dma_wait3A_261 = arith.constant 0 : i32
    %dma_wait3A_262 = tpu.memref_slice %arg31[%arg1, %dma_wait3A_260, %dma_wait3A_261] : memref<16x64x256xf32, #tpu.memory_space<vmem_shared>> -> memref<1x64x256xf32, #tpu.memory_space<vmem_shared>>
    %dma_wait3A_263 = tpu.memref_squeeze %dma_wait3A_262 : memref<1x64x256xf32, #tpu.memory_space<vmem_shared>> -> memref<64x256xf32, #tpu.memory_space<vmem_shared>>
    tpu.wait_dma2 semaphore(%arg29 : memref<!tpu.dma_semaphore, #tpu.memory_space<semaphore_mem>>) src(%dma_wait3A_263 : memref<64x256xf32, #tpu.memory_space<vmem_shared>>) dst(%dma_wait3A_259 : memref<64x256xf32, #tpu.memory_space<hbm>>)
    %add3A_264 = arith.constant 960 : i32
    %add3A_265 = arith.addi %mul3A_2, %add3A_264 : i32
    %dma_start3A_266 = arith.constant 512 : i32
    %dma_start3A_267 = tpu.memref_slice %arg10[%add3A_265, %dma_start3A_266] : memref<32768x1024xf32, #tpu.memory_space<hbm>> -> memref<64x256xf32, #tpu.memory_space<hbm>>
    %dma_start3A_268 = arith.constant 0 : i32
    %dma_start3A_269 = arith.constant 0 : i32
    %dma_start3A_270 = tpu.memref_slice %arg31[%arg1, %dma_start3A_268, %dma_start3A_269] : memref<16x64x256xf32, #tpu.memory_space<vmem_shared>> -> memref<1x64x256xf32, #tpu.memory_space<vmem_shared>>
    %dma_start3A_271 = tpu.memref_squeeze %dma_start3A_270 : memref<1x64x256xf32, #tpu.memory_space<vmem_shared>> -> memref<64x256xf32, #tpu.memory_space<vmem_shared>>
    tpu.enqueue_dma source(%dma_start3A_271 : memref<64x256xf32, #tpu.memory_space<vmem_shared>>) target(%dma_start3A_267 : memref<64x256xf32, #tpu.memory_space<hbm>>) target_semaphore(%arg29 : memref<!tpu.dma_semaphore, #tpu.memory_space<semaphore_mem>>)
    %dma_wait3A_272 = arith.constant 960 : i32
    %dma_wait3A_273 = tpu.memref_slice %arg14[%dma_wait3A_272] : memref<1024xi32, #tpu.memory_space<vmem>> -> memref<64xi32, #tpu.memory_space<vmem>>
    %dma_wait3A_274 = arith.constant 0 : i32
    %dma_wait3A_275 = arith.constant 0 : i32
    %dma_wait3A_276 = tpu.memref_slice %arg9[%dma_wait3A_274, %dma_wait3A_275] : memref<1000x256xf32, #tpu.memory_space<hbm>> -> memref<1000x256xf32, #tpu.memory_space<hbm>>
    tpu.wait_indirect_dma semaphore(%arg22 : memref<!tpu.dma_semaphore, #tpu.memory_space<semaphore_mem>>) src(%dma_wait3A_276 : memref<1000x256xf32, #tpu.memory_space<hbm>>) dst(%arg18 : memref<64x256xf32, #tpu.memory_space<vmem>>)
    %dma_start3A_277 = arith.constant 0 : i32
    %dma_start3A_278 = arith.constant 0 : i32
    %dma_start3A_279 = tpu.memref_slice %arg31[%arg1, %dma_start3A_277, %dma_start3A_278] : memref<16x64x256xf32, #tpu.memory_space<vmem_shared>> -> memref<1x64x256xf32, #tpu.memory_space<vmem_shared>>
    %dma_start3A_280 = tpu.memref_squeeze %dma_start3A_279 : memref<1x64x256xf32, #tpu.memory_space<vmem_shared>> -> memref<64x256xf32, #tpu.memory_space<vmem_shared>>
    %dma_start3A_281 = arith.constant 0 : i32
    %dma_start3A_282 = arith.constant 0 : i32
    %dma_start3A_283 = tpu.memref_slice %arg31[%arg1, %dma_start3A_281, %dma_start3A_282] : memref<16x64x256xf32, #tpu.memory_space<vmem_shared>> -> memref<1x64x256xf32, #tpu.memory_space<vmem_shared>>
    %dma_start3A_284 = tpu.memref_squeeze %dma_start3A_283 : memref<1x64x256xf32, #tpu.memory_space<vmem_shared>> -> memref<64x256xf32, #tpu.memory_space<vmem_shared>>
    tpu.enqueue_dma source(%arg18 : memref<64x256xf32, #tpu.memory_space<vmem>>) target(%dma_start3A_284 : memref<64x256xf32, #tpu.memory_space<vmem_shared>>) target_semaphore(%arg26 : memref<!tpu.dma_semaphore, #tpu.memory_space<semaphore_mem>>)
    %dma_wait3A_285 = arith.constant 0 : i32
    %dma_wait3A_286 = arith.constant 0 : i32
    %dma_wait3A_287 = tpu.memref_slice %arg31[%arg1, %dma_wait3A_285, %dma_wait3A_286] : memref<16x64x256xf32, #tpu.memory_space<vmem_shared>> -> memref<1x64x256xf32, #tpu.memory_space<vmem_shared>>
    %dma_wait3A_288 = tpu.memref_squeeze %dma_wait3A_287 : memref<1x64x256xf32, #tpu.memory_space<vmem_shared>> -> memref<64x256xf32, #tpu.memory_space<vmem_shared>>
    %dma_wait3A_289 = arith.constant 0 : i32
    %dma_wait3A_290 = arith.constant 0 : i32
    %dma_wait3A_291 = tpu.memref_slice %arg31[%arg1, %dma_wait3A_289, %dma_wait3A_290] : memref<16x64x256xf32, #tpu.memory_space<vmem_shared>> -> memref<1x64x256xf32, #tpu.memory_space<vmem_shared>>
    %dma_wait3A_292 = tpu.memref_squeeze %dma_wait3A_291 : memref<1x64x256xf32, #tpu.memory_space<vmem_shared>> -> memref<64x256xf32, #tpu.memory_space<vmem_shared>>
    tpu.wait_dma2 semaphore(%arg26 : memref<!tpu.dma_semaphore, #tpu.memory_space<semaphore_mem>>) src(%arg18 : memref<64x256xf32, #tpu.memory_space<vmem>>) dst(%dma_wait3A_292 : memref<64x256xf32, #tpu.memory_space<vmem_shared>>)
    %add3A_293 = arith.constant 896 : i32
    %add3A_294 = arith.addi %mul3A_2, %add3A_293 : i32
    %dma_wait3A_295 = arith.constant 768 : i32
    %dma_wait3A_296 = tpu.memref_slice %arg10[%add3A_294, %dma_wait3A_295] : memref<32768x1024xf32, #tpu.memory_space<hbm>> -> memref<64x256xf32, #tpu.memory_space<hbm>>
    %dma_wait3A_297 = arith.constant 0 : i32
    %dma_wait3A_298 = arith.constant 0 : i32
    %dma_wait3A_299 = tpu.memref_slice %arg31[%arg1, %dma_wait3A_297, %dma_wait3A_298] : memref<16x64x256xf32, #tpu.memory_space<vmem_shared>> -> memref<1x64x256xf32, #tpu.memory_space<vmem_shared>>
    %dma_wait3A_300 = tpu.memref_squeeze %dma_wait3A_299 : memref<1x64x256xf32, #tpu.memory_space<vmem_shared>> -> memref<64x256xf32, #tpu.memory_space<vmem_shared>>
    tpu.wait_dma2 semaphore(%arg30 : memref<!tpu.dma_semaphore, #tpu.memory_space<semaphore_mem>>) src(%dma_wait3A_300 : memref<64x256xf32, #tpu.memory_space<vmem_shared>>) dst(%dma_wait3A_296 : memref<64x256xf32, #tpu.memory_space<hbm>>)
    %add3A_301 = arith.constant 960 : i32
    %add3A_302 = arith.addi %mul3A_2, %add3A_301 : i32
    %dma_start3A_303 = arith.constant 768 : i32
    %dma_start3A_304 = tpu.memref_slice %arg10[%add3A_302, %dma_start3A_303] : memref<32768x1024xf32, #tpu.memory_space<hbm>> -> memref<64x256xf32, #tpu.memory_space<hbm>>
    %dma_start3A_305 = arith.constant 0 : i32
    %dma_start3A_306 = arith.constant 0 : i32
    %dma_start3A_307 = tpu.memref_slice %arg31[%arg1, %dma_start3A_305, %dma_start3A_306] : memref<16x64x256xf32, #tpu.memory_space<vmem_shared>> -> memref<1x64x256xf32, #tpu.memory_space<vmem_shared>>
    %dma_start3A_308 = tpu.memref_squeeze %dma_start3A_307 : memref<1x64x256xf32, #tpu.memory_space<vmem_shared>> -> memref<64x256xf32, #tpu.memory_space<vmem_shared>>
    tpu.enqueue_dma source(%dma_start3A_308 : memref<64x256xf32, #tpu.memory_space<vmem_shared>>) target(%dma_start3A_304 : memref<64x256xf32, #tpu.memory_space<hbm>>) target_semaphore(%arg30 : memref<!tpu.dma_semaphore, #tpu.memory_space<semaphore_mem>>)
    %add3A_309 = arith.constant 960 : i32
    %add3A_310 = arith.addi %mul3A_2, %add3A_309 : i32
    %dma_wait3A_311 = arith.constant 0 : i32
    %dma_wait3A_312 = tpu.memref_slice %arg10[%add3A_310, %dma_wait3A_311] : memref<32768x1024xf32, #tpu.memory_space<hbm>> -> memref<64x256xf32, #tpu.memory_space<hbm>>
    %dma_wait3A_313 = arith.constant 0 : i32
    %dma_wait3A_314 = arith.constant 0 : i32
    %dma_wait3A_315 = tpu.memref_slice %arg31[%arg1, %dma_wait3A_313, %dma_wait3A_314] : memref<16x64x256xf32, #tpu.memory_space<vmem_shared>> -> memref<1x64x256xf32, #tpu.memory_space<vmem_shared>>
    %dma_wait3A_316 = tpu.memref_squeeze %dma_wait3A_315 : memref<1x64x256xf32, #tpu.memory_space<vmem_shared>> -> memref<64x256xf32, #tpu.memory_space<vmem_shared>>
    tpu.wait_dma2 semaphore(%arg27 : memref<!tpu.dma_semaphore, #tpu.memory_space<semaphore_mem>>) src(%dma_wait3A_316 : memref<64x256xf32, #tpu.memory_space<vmem_shared>>) dst(%dma_wait3A_312 : memref<64x256xf32, #tpu.memory_space<hbm>>)
    %add3A_317 = arith.constant 960 : i32
    %add3A_318 = arith.addi %mul3A_2, %add3A_317 : i32
    %dma_wait3A_319 = arith.constant 256 : i32
    %dma_wait3A_320 = tpu.memref_slice %arg10[%add3A_318, %dma_wait3A_319] : memref<32768x1024xf32, #tpu.memory_space<hbm>> -> memref<64x256xf32, #tpu.memory_space<hbm>>
    %dma_wait3A_321 = arith.constant 0 : i32
    %dma_wait3A_322 = arith.constant 0 : i32
    %dma_wait3A_323 = tpu.memref_slice %arg31[%arg1, %dma_wait3A_321, %dma_wait3A_322] : memref<16x64x256xf32, #tpu.memory_space<vmem_shared>> -> memref<1x64x256xf32, #tpu.memory_space<vmem_shared>>
    %dma_wait3A_324 = tpu.memref_squeeze %dma_wait3A_323 : memref<1x64x256xf32, #tpu.memory_space<vmem_shared>> -> memref<64x256xf32, #tpu.memory_space<vmem_shared>>
    tpu.wait_dma2 semaphore(%arg28 : memref<!tpu.dma_semaphore, #tpu.memory_space<semaphore_mem>>) src(%dma_wait3A_324 : memref<64x256xf32, #tpu.memory_space<vmem_shared>>) dst(%dma_wait3A_320 : memref<64x256xf32, #tpu.memory_space<hbm>>)
    %add3A_325 = arith.constant 960 : i32
    %add3A_326 = arith.addi %mul3A_2, %add3A_325 : i32
    %dma_wait3A_327 = arith.constant 512 : i32
    %dma_wait3A_328 = tpu.memref_slice %arg10[%add3A_326, %dma_wait3A_327] : memref<32768x1024xf32, #tpu.memory_space<hbm>> -> memref<64x256xf32, #tpu.memory_space<hbm>>
    %dma_wait3A_329 = arith.constant 0 : i32
    %dma_wait3A_330 = arith.constant 0 : i32
    %dma_wait3A_331 = tpu.memref_slice %arg31[%arg1, %dma_wait3A_329, %dma_wait3A_330] : memref<16x64x256xf32, #tpu.memory_space<vmem_shared>> -> memref<1x64x256xf32, #tpu.memory_space<vmem_shared>>
    %dma_wait3A_332 = tpu.memref_squeeze %dma_wait3A_331 : memref<1x64x256xf32, #tpu.memory_space<vmem_shared>> -> memref<64x256xf32, #tpu.memory_space<vmem_shared>>
    tpu.wait_dma2 semaphore(%arg29 : memref<!tpu.dma_semaphore, #tpu.memory_space<semaphore_mem>>) src(%dma_wait3A_332 : memref<64x256xf32, #tpu.memory_space<vmem_shared>>) dst(%dma_wait3A_328 : memref<64x256xf32, #tpu.memory_space<hbm>>)
    %add3A_333 = arith.constant 960 : i32
    %add3A_334 = arith.addi %mul3A_2, %add3A_333 : i32
    %dma_wait3A_335 = arith.constant 768 : i32
    %dma_wait3A_336 = tpu.memref_slice %arg10[%add3A_334, %dma_wait3A_335] : memref<32768x1024xf32, #tpu.memory_space<hbm>> -> memref<64x256xf32, #tpu.memory_space<hbm>>
    %dma_wait3A_337 = arith.constant 0 : i32
    %dma_wait3A_338 = arith.constant 0 : i32
    %dma_wait3A_339 = tpu.memref_slice %arg31[%arg1, %dma_wait3A_337, %dma_wait3A_338] : memref<16x64x256xf32, #tpu.memory_space<vmem_shared>> -> memref<1x64x256xf32, #tpu.memory_space<vmem_shared>>
    %dma_wait3A_340 = tpu.memref_squeeze %dma_wait3A_339 : memref<1x64x256xf32, #tpu.memory_space<vmem_shared>> -> memref<64x256xf32, #tpu.memory_space<vmem_shared>>
    tpu.wait_dma2 semaphore(%arg30 : memref<!tpu.dma_semaphore, #tpu.memory_space<semaphore_mem>>) src(%dma_wait3A_340 : memref<64x256xf32, #tpu.memory_space<vmem_shared>>) dst(%dma_wait3A_336 : memref<64x256xf32, #tpu.memory_space<hbm>>)
    return
  }
}

</mosaic_0001>

<sc_bundles>
// kernel: _lookup.3.cloned.1.call-start
scs
__scs_entry_jumppad:
0x0: {  	(pc) =	sbr.rel $0x88, $3  }
0x1: {  	(tag) =	ssettag $0x0;
	lr =	simm.s32 $0x1  }
0x2: {  	[smem:$0x3F99] =	sst lr;
	_ =	strace $0xD0000000  }
0x3: {  	_ = 	snop  }
0x4: {  	_ = 	snop  }
0x5: {  	_ = 	snop  }
0x6: {  	_ = 	snop  }
0x7: {  	_ = 	snop  }
__scs_overlays_trampoline_lowered:
0x8: {  	[smem:$0x3FA8] =	sst s0  }
0x9: {  	[smem:$0x3FA9] =	sst s1  }
0xa: {  	[smem:$0x3FAA] =	sst s2  }
0xb: {  	[smem:$0x3FAB] =	sst s3  }
0xc: {  	[smem:$0x3FAC] =	sst s4  }
0xd: {  	[smem:$0x3FAD] =	sst s5  }
0xe: {  	[smem:$0x3FAE] =	sst s6  }
0xf: {  	[smem:$0x3FAF] =	sst s7  }
0x10: {  	[smem:$0x3FB0] =	sst s8  }
0x11: {  	[smem:$0x3FB1] =	sst s9;
	s0 =	simm.s32 @!p0 $0x0  }
0x12: {  	s1 =	sld [smem:$0x3F97];
	s0 =	simm.s32 @p0 $0x1  }
0x13: {  	[smem:$0x3FB2] =	sst s0;
	s0 =	simm.s32 @!p1 $0x0  }
0x14: {  	s2 =	sld [smem:$0x3F96];
	s0 =	simm.s32 @p1 $0x1  }
0x15: {  	[smem:$0x3FB3] =	sst s0;
	s0 =	simm.s32 @!p2 $0x0  }
0x16: {  	s3 =	sld [smem:$0x3FDB];
	s0 =	simm.s32 @p2 $0x1  }
0x17: {  	s4 =	simm.s32 $0x1BF5;
	[smem:$0x3FB5] =	sst s0  }
0x18: {  	s0 =	sld [smem:$0x3F98];
	_ =	swait.ge [sflag:s4], $0x0  }
0x19: {  	s7 =	sld [smem:$0x3F99]  }
0x1a: {  	s8 =	sadd.s32 $0xFFFFE003, lr  }
0x1b: {  	s9 =	sadd.s32 $0xFFFFFEF7, lr;
	s5 =	simm.s32 $0xFFFFFFFF;
	p2 =	slt.u32 s8, $0xFFFFF086  }
0x1c: {  	p1 =	slt.u32 s9, $0xF7A;
	s5 =	simm.s32 @!p2 $0x0  }
0x1d: {  	s5 =	simm.s32 @p1 $0x1;
	p0 =	seq.s32 s7, s2  }
0x1e: {  	s7 =	smul.u32 @!p0 $0xF7A, s2;
	p2 =	seq.s32 @!p0 s5, $0x0  }
0x1f: {  	s9 =	smul.u32 $0xF7A, s1;
	s8 =	simm.s32 @!p0 $0x1BF5;
	p2 =	por !p2, p0  }
0x20: {  	[sflag:s8] =	ssyncset.s32 @!p0 $0xFFFFF086;
	s6 =	sadd.s32 @!p0 s3, s7;
	s7 =	simm.s32 @!p0 $0x108  }
0x21: {  	s3 =	sadd.s32 s3, s9;
	s6 =	sadd.s32 @!p0 $0x88, s6;
	s7 =	simm.s32 @p2 $0x1082  }
0x22: {  	[simem:s7], [sflag:s8] =	dma.local @!p0 [hbm:s6], $0xF7A  }
0x23: {  	s9 =	sor.u32 $0xD0000000, s2;
	s6 =	simm.s32 $0x108;
	_ =	swait.ge @!p0 [sflag:s8], $0x0  }
0x24: {  	s3 =	sadd.s32 $0x88, s3;
	s6 =	simm.s32 @!p1 $0x1082;
	[sflag:s4] =	ssyncset.s32 $0xFFFFF086  }
0x25: {  	[simem:s6], [sflag:s4] =	dma.local [hbm:s3], $0xF7A  }
0x26: {  	[smem:$0x3F99] =	sst s1;
	(tag) =	ssettag s2;
	_ =	strace s9  }
0x27: {  	s1 =	sld [smem:$0x3FA9]  }
0x28: {  	s2 =	sld [smem:$0x3FAA]  }
0x29: {  	s4 =	sld [smem:$0x3FAC]  }
0x2a: {  	p0 =	seq.s32 s5, $0x0;
	s5 =	sld [smem:$0x3FAD]  }
0x2b: {  	s6 =	sld [smem:$0x3FAE]  }
0x2c: {  	s7 =	sld [smem:$0x3FAF]  }
0x2d: {  	s3 =	simm.s32 $0x108;
	s8 =	sld [smem:$0x3FB0]  }
0x2e: {  	s3 =	simm.s32 @!p0 $0x1082;
	s9 =	sld [smem:$0x3FB1]  }
0x2f: {  	lr =	sadd.s32 s0, s3;
	s0 =	sld [smem:$0x3FA8]  }
0x30: {  	s3 =	sld [smem:$0x3FAB]  }
0x31: {  	[smem:$0x3FB4] =	sst s10  }
0x32: {  	s10 =	sld [smem:$0x3FB2];
	_ =	sdelay $0x3  }
0x33: {  	p0 =	seq.s32 s10, $0x1;
	s10 =	sld [smem:$0x3FB4];
	_ =	sdelay $0x3  }
0x34: {  	[smem:$0x3FB4] =	sst s10  }
0x35: {  	s10 =	sld [smem:$0x3FB3];
	_ =	sdelay $0x3  }
0x36: {  	p1 =	seq.s32 s10, $0x1;
	s10 =	sld [smem:$0x3FB4];
	_ =	sdelay $0x3  }
0x37: {  	[smem:$0x3FB4] =	sst s10  }
0x38: {  	s10 =	sld [smem:$0x3FB5]  }
0x39: {  	_ = 	snop;
	(pc) =	sbr.ind lr, $3  }
0x3a: {  	_ = 	snop  }
0x3b: {  	_ = 	snop  }
0x3c: {  	p2 =	seq.s32 s10, $0x1;
	s10 =	sld [smem:$0x3FB4]  }
0x3d: {  	_ =	shalt  }
0x3e: {  	_ =	shalt  }
0x3f: {  	_ =	shalt  }
0x40: {  	_ =	shalt  }
0x41: {  	_ =	shalt  }
0x42: {  	_ =	shalt  }
0x43: {  	_ =	shalt  }
0x44: {  	_ =	shalt  }
0x45: {  	_ =	shalt  }
0x46: {  	_ =	shalt  }
0x47: {  	_ =	shalt  }
0x48: {  	_ =	shalt  }
0x49: {  	_ =	shalt  }
0x4a: {  	_ =	shalt  }
0x4b: {  	_ =	shalt  }
0x4c: {  	_ =	shalt  }
0x4d: {  	_ =	shalt  }
0x4e: {  	_ =	shalt  }
0x4f: {  	_ =	shalt  }
0x50: {  	_ =	shalt  }
0x51: {  	_ =	shalt  }
0x52: {  	_ =	shalt  }
0x53: {  	_ =	shalt  }
0x54: {  	_ =	shalt  }
0x55: {  	_ =	shalt  }
0x56: {  	_ =	shalt  }
0x57: {  	_ =	shalt  }
0x58: {  	_ =	shalt  }
0x59: {  	_ =	shalt  }
0x5a: {  	_ =	shalt  }
0x5b: {  	_ =	shalt  }
0x5c: {  	_ =	shalt  }
0x5d: {  	_ =	shalt  }
0x5e: {  	_ =	shalt  }
0x5f: {  	_ =	shalt  }
0x60: {  	_ =	shalt  }
0x61: {  	_ =	shalt  }
0x62: {  	_ =	shalt  }
0x63: {  	_ =	shalt  }
0x64: {  	_ =	shalt  }
0x65: {  	_ =	shalt  }
0x66: {  	_ =	shalt  }
0x67: {  	_ =	shalt  }
0x68: {  	_ =	shalt  }
0x69: {  	_ =	shalt  }
0x6a: {  	_ =	shalt  }
0x6b: {  	_ =	shalt  }
0x6c: {  	_ =	shalt  }
0x6d: {  	_ =	shalt  }
0x6e: {  	_ =	shalt  }
0x6f: {  	_ =	shalt  }
0x70: {  	_ =	shalt  }
0x71: {  	_ =	shalt  }
0x72: {  	_ =	shalt  }
0x73: {  	_ =	shalt  }
0x74: {  	_ =	shalt  }
0x75: {  	_ =	shalt  }
0x76: {  	_ =	shalt  }
0x77: {  	_ =	shalt  }
0x78: {  	_ =	shalt  }
0x79: {  	_ =	shalt  }
0x7a: {  	_ =	shalt  }
0x7b: {  	_ =	shalt  }
0x7c: {  	_ =	shalt  }
0x7d: {  	_ =	shalt  }
0x7e: {  	_ =	shalt  }
0x7f: {  	_ =	shalt  }
0x80: {  	_ =	shalt  }
0x81: {  	_ =	shalt  }
0x82: {  	_ =	shalt  }
0x83: {  	_ =	shalt  }
0x84: {  	_ =	shalt  }
0x85: {  	_ =	shalt  }
0x86: {  	_ =	shalt  }
0x87: {  	_ =	shalt  }
.Lfunc_end0:
.L_simem_size_0:
called_computation_lowered:
.L_overlay_start_0:
0x88: {  	s2 =	sld [smem:$0x3FD9]  }
0x89: {  	s3 =	sld [smem:$0x3FFE];
	_ =	sdelay $0x1  }
0x8a: {  	s1 =	srdreg.scid  }
0x8b: {  	s0 =	sand.u32 $0x1, s1  }
0x8c: {  	s17 =	sshll.u32 s0, $0xA;
	s2 =	sadd.s32 s3, s2  }
0x8d: {  	s2 =	sadd.s32 s2, s17  }
0x8e: {  	[smem:$0x3FC0] =	sst s2  }
0x8f: {  	_ = 	snop  }
0x90: {  	s2 =	sld [smem:$0x3FC5]  }
0x91: {  	s18 =	sld [smem:$0x3FC4]  }
0x92: {  	s4 =	sld [smem:$0x3FC3]  }
0x93: {  	s5 =	sld [smem:$0x3FC2]  }
0x94: {  	s6 =	sld [smem:$0x3FD0];
	(tm) =	ssettm $0x1  }
0x95: {  	s7 =	sld [smem:$0x3FFB];
	_ =	sdelay $0x3  }
0x96: {  	_ =	strace s7  }
0x97: {  	s7 =	sld [smem:$0x3FFC];
	_ =	sdelay $0x3  }
0x98: {  	_ =	strace s7  }
0x99: {  	s7 =	sld [smem:$0x3FFD];
	_ =	sdelay $0x3  }
0x9a: {  	_ =	strace s7  }
0x9b: {  	_ =	strace $0x8FFFFFFF  }
0x9c: {  	s19 =	sld [smem:$0x3FDB];
	_ =	sdelay $0x1  }
0x9d: {  	s8 =	simm.s32 $_scs_section_size  }
0x9e: {  	s9 =	simm.s32 $_size__tile_overlayer_lowered;
	s10 =	simm.s32 $_tile_overlayer_lowered  }
0x9f: {  	s22 =	simm.s32 $0x1BFF;
	s21 =	sshll.u32 s10, $0x1;
	s7 =	sadd.s32 s8, s19  }
0xa0: {  	s11 =	simm.s32 $0x0;
	s20 =	sshll.u32 s9, $0x1;
	s9 =	sadd.s32 s21, s7  }
0xa1: {  	[timem:s11], [sflag:s22] =	dma.local [hbm:s9], s20  }
0xa2: {  	_ =	swait.ge [sflag:s22], s20  }
0xa3: {  	s8 =	ssub.s32 $0x0, s20;
	[sflag:s22] =	ssyncset.done $0x0  }
0xa4: {  	[sflag:s22] =	ssyncadd.s32 s8;
	_ =	sdelay $0x1  }
0xa5: {  	s23 =	simm.s32 $0x1B8B  }
0xa6: {  	_ =	swait.ge [sflag:s23], $0x1  }
0xa7: {  	[sflag:s23] =	ssyncset.done $0x0  }
0xa8: {  	s25 =	simm.s32 $0x1B8E;
	s24 =	sld [smem:$0x3FFE];
	[sflag:s23] =	ssyncadd.s32 $0xFFFFFFFF  }
0xa9: {  	s26 =	simm.s32 $execute0_lowered;
	[smem:$0x3FD2] =	sst s25  }
0xaa: {  	s9 =	sshll.u32 s26, $0x1;
	_ =	strace $0x80000046;
	[dreg:$0x1] =	wrdreg $0xFFFFFFFF  }
0xab: {  	s28 =	simm.s32 $_size_execute0_lowered;
	s7 =	sadd.s32 s7, s9;
	[dreg:$0x0] =	wrdreg $0x0  }
0xac: {  	s9 =	sshll.u32 s28, $0x1;
	[dreg:$0x2] =	wrdreg s7  }
0xad: {  	[dreg:$0x3] =	wrdreg s9  }
0xae: {  	[dreg:$0x4] =	wrdreg $0xC0  }
0xaf: {  	_ =	task [dreg:s11], $0x5FFFF  }
0xb0: {  	[dreg:$0x1] =	wrdreg $0xFFFFFFFF  }
0xb1: {  	[dreg:$0x0] =	wrdreg $0x60  }
0xb2: {  	[dreg:$0x2] =	wrdreg s24  }
0xb3: {  	[dreg:$0x3] =	wrdreg s2  }
0xb4: {  	[dreg:$0x4] =	wrdreg s18  }
0xb5: {  	[dreg:$0x5] =	wrdreg s4  }
0xb6: {  	[dreg:$0x6] =	wrdreg s5  }
0xb7: {  	[dreg:$0x7] =	wrdreg s6  }
0xb8: {  	[dreg:$0x8] =	wrdreg $0x110000  }
0xb9: {  	[dreg:$0x9] =	wrdreg $0x9  }
0xba: {  	_ =	task.clear_ibuf [dreg:s11], $0xAFFFF;
	_ =	strace $0x90000046  }
0xbb: {  	s29 =	simm.s32 $0x9;
	_ =	strace $0x80000048  }
0xbc: {  	_ =	swait.ge [sflag:s29], $0x1  }
0xbd: {  	[sflag:s29] =	ssyncadd.s32 $0xFFFFFFFF  }
0xbe: {  	_ =	strace $0x90000048  }
0xbf: {  	_ =	sfence  }
0xc0: {  	s30 =	sld [smem:$0x0];
	_ =	sdelay $0x2  }
0xc1: {  	s31 =	sshll.u32 s1, $0xD;
	s1 =	sshrl.u32 s1, $0x2  }
0xc2: {  	s3 =	sand.u32 $0x4000, s31;
	s1 =	sadd.s32 s1, s30  }
0xc3: {  	s0 =	sor.u32 s3, s0;
	s1 =	sshll.u32 s1, $0x11  }
0xc4: {  	s0 =	sor.u32 s1, s0  }
0xc5: {  	s0 =	sadd.s32 $0x8F2B, s0  }
0xc6: {  	[sflag:s0] =	ssyncadd.remote.s32 $0x1  }
0xc7: {  	_ =	sfence.sel $0xFFFF  }
0xc8: {  	[dreg:$0x0] =	wrdreg $0xFFFFFFFF;
	(pc) =	sbr.abs _section_cstart, $3  }
0xc9: {  	[dreg:$0x1] =	wrdreg $0xFFFFFFFF  }
0xca: {  	_ =	task.clear_ibuf [dreg:s11], $0x2FFFF;
	_ =	strace $0x9FFFFFFF  }
0xcb: {  	(tm) =	ssettm $0x7FFFFFFF  }
tec
execute0_lowered:
.L_overlay_start_1:
0x0: {  	(tag) =	ssettag $0x1  }
0x1: {  	s3 =	rddreg [dreg:$0x0]  }
0x2: {  	s0 =	rddreg [dreg:$0x1]  }
0x3: {  	s1 =	rddreg [dreg:$0x2]  }
0x4: {  	s2 =	rddreg [dreg:$0x3]  }
0x5: {  	s5 =	rddreg [dreg:$0x4]  }
0x6: {  	s4 =	rddreg [dreg:$0x5];
	s6 =	srdreg.scid  }
0x7: {  	s7 =	rddreg [dreg:$0x6];
	s13 =	stileid.u32  }
0x8: {  	s28 =	simm.s32 $0x3800;
	s30 =	simm.s32 $0x4000;
	s8 =	sand.u32 $0x1, s6  }
0x9: {  	s9 =	sshll.u32 s13, $0xB;
	s6 =	simm.s32 $0x0;
	s10 =	sshll.u32 s8, $0xA  }
0xa: {  	s26 =	ssub.s32 $0x2, s8;
	[smem:$0x7FF] =	sst s6;
	s9 =	sor.u32 s10, s9  }
0xb: {  	s12 =	sshrl.u32 s26, $0x1;
	s11 =	sshrl.u32 s9, $0x3;
	s9 =	sshll.u32 s9, $0x7  }
0xc: {  	_ =	strace $0x80000047;
	s10 =	ssub.s32 s26, s12;
	s9 =	sadd.s32 s4, s9  }
0xd: {  	s3 =	sadd.s32 s11, s3;
	s26 =	smax.u32 s10, $0x1;
	[dreg:$0xb] =	wrdreg s9  }
0xe: {  	s31 =	simm.s32 $0x4800;
	s11 =	sadd.s32 $0x400, s3;
	[dreg:$0x14] =	wrdreg s26  }
0xf: {  	s29 =	simm.s32 $0xC;
	s14 =	sadd.s32 $0x1400, s3;
	[dreg:$0x8] =	wrdreg s11  }
0x10: {  	s16 =	sshll.u32 s13, $0xE;
	s15 =	sadd.s32 $0x2400, s3;
	[dreg:$0x9] =	wrdreg s14  }
0x11: {  	s20 =	sshll.u32 s13, $0x12;
	s3 =	sadd.s32 $0x3400, s3;
	[dreg:$0xa] =	wrdreg s15  }
0x12: {  	s13 =	simm.s32 $0x100;
	s17 =	sadd.s32 $0x100, s9;
	[dreg:$0xc] =	wrdreg s3  }
0x13: {  	s22 =	sshll.u32 s8, $0x11;
	s18 =	sadd.s32 $0x200, s9;
	[dreg:$0xd] =	wrdreg s17  }
0x14: {  	s8 =	simm.s32 $0x6000;
	s19 =	sadd.s32 $0x300, s9;
	[dreg:$0xe] =	wrdreg s18  }
0x15: {  	s12 =	sadd.s32 s16, s7;
	s21 =	sadd.s32 $0x1E000, s9;
	[dreg:$0xf] =	wrdreg s19  }
0x16: {  	s16 =	simm.s32 $0x1800;
	s23 =	sadd.s32 $0x1E100, s9;
	[dreg:$0x10] =	wrdreg s21  }
0x17: {  	s10 =	simm.s32 $0xA;
	s24 =	sadd.s32 $0x1E200, s9;
	[dreg:$0x11] =	wrdreg s23  }
0x18: {  	s25 =	sadd.s32 $0x1E300, s9;
	s26 =	simm.s32 $0x3000;
	[dreg:$0x12] =	wrdreg s24  }
0x19: {  	s9 =	simm.s32 $0x5800;
	s3 =	sadd.s32 s20, s4;
	[dreg:$0x13] =	wrdreg s25  }
0x1a: {  	s23 =	simm.s32 $0x400;
	s24 =	simm.s32 $0x2000;
	s25 =	simm.s32 $0x2800  }
0x1b: {  	s14 =	simm.s32 $0x9800;
	s17 =	simm.s32 $0xD800;
	s15 =	simm.s32 $0xE000  }
0x1c: {  	v2 =	vlaneseq.u32;
	s11 =	simm.s32 $0x10;
	s19 =	simm.s32 $0x4;
	s3 =	sadd.s32 s22, s3  }
0x1d: {  	vm0 =	vmmov $0xffff;
	v1 =	vshrl.u32 v2, $0x3;
	s20 =	simm.s32 $0x8;
	s21 =	simm.s32 $0x9;
	s3 =	sadd.s32 $0x2300, s3  }
0x1e: {  	v0 =	vand.u32 $0x7, v2;
	v2 =	vor.u32 $0x8, v2;
	v1 =	vmul.u32 $0x8, v1;
	s4 =	simm.s32 $0x0;
	s22 =	simm.s32 $0xB;
	[dreg:$0x15] =	wrdreg s3  }
.LBB2_1:
0x1f: {  	[dreg:$0x16] =	wrdreg s4  }
0x20: {  	s3 =	rddreg [dreg:$0x8];
	s4 =	simm.s32 $0xD  }
0x21: {  	[tilespmem:s6], [sflag:$0xD] =	stream.linear.gather [hbm4b:s3+s6], $0x400, $0x38;
	[tilespmem:$0x15000] =	vst v63  }
0x22: {  	_ =	swait.ge [sflag:s4], $0x400  }
0x23: {  	[sflag:s4] =	ssyncset.done $0x0  }
0x24: {  	s7 =	rddreg [dreg:$0x9];
	[sflag:s4] =	ssyncadd.s32 $0xFFFFFC00  }
0x25: {  	[tilespmem:s23], [sflag:$0xD] =	stream.linear.gather [hbm4b:s7+s6], $0x400, $0x38;
	[tilespmem:$0x15000] =	vst v63  }
0x26: {  	_ =	swait.ge [sflag:s4], $0x400  }
0x27: {  	[sflag:s4] =	ssyncset.done $0x0  }
0x28: {  	s7 =	simm.s32 $0x800;
	s18 =	rddreg [dreg:$0xa];
	[sflag:s4] =	ssyncadd.s32 $0xFFFFFC00  }
0x29: {  	[tilespmem:s7], [sflag:$0xD] =	stream.linear.gather [hbm4b:s18+s6], $0x400, $0x38;
	[tilespmem:$0x15000] =	vst v63  }
0x2a: {  	_ =	swait.ge [sflag:s4], $0x400  }
0x2b: {  	[sflag:s4] =	ssyncset.done $0x0  }
0x2c: {  	s18 =	simm.s32 $0xC00;
	s7 =	rddreg [dreg:$0xc];
	[sflag:s4] =	ssyncadd.s32 $0xFFFFFC00  }
0x2d: {  	[tilespmem:s18], [sflag:$0xD] =	stream.linear.gather [hbm4b:s7+s6], $0x400, $0x38;
	[tilespmem:$0x15000] =	vst v63  }
0x2e: {  	_ =	swait.ge [sflag:s4], $0x400  }
0x2f: {  	[sflag:s4] =	ssyncset.done $0x0  }
0x30: {  	[sflag:s4] =	ssyncadd.s32 $0xFFFFFC00  }
0x31: {  	v3 =	vld [tilespmem:$0x0];
	_ =	sdelay $0x4  }
0x32: {  	v4 =	vshll.u32 v3, $0x1  }
0x33: {  	v3 =	vand.u32 $0x7, v3;
	v4 =	vand.u32 $0xFFFFFFF0, v4  }
0x34: {  	v3 =	vor.u32 v3, v4  }
0x35: {  	v4 =	vperm.xlane v3, v0;
	_ =	sdelay $0x1  }
0x36: {  	v3 =	vperm.xlane v3, v2;
	v4 =	vadd.s32 v1, v4;
	_ =	sdelay $0x1  }
0x37: {  	v3 =	vadd.s32 v1, v3;
	_ =	sdelay $0x1  }
0x38: {  	s4 =	simm.s32 $0x1000  }
0x39: {  	[tilespmem:s4], [sflag:$0x1] =	stream.indirect_vreg.gather [hbm4b:s0+s6], $0x80, v4, vm0, $0xb8;
	[tilespmem:$0x15000] =	vst v63  }
0x3a: {  	_ = 	snop  }
0x3b: {  	[tilespmem:s16], [sflag:$0x1] =	stream.indirect_vreg.gather [hbm4b:s0+s6], $0x80, v3, vm0, $0xb8;
	[tilespmem:$0x15000] =	vst v63  }
0x3c: {  	v3 =	vld [tilespmem:$0x10];
	_ =	sdelay $0x4  }
0x3d: {  	v33 =	vshll.u32 v3, $0x1  }
0x3e: {  	v3 =	vand.u32 $0x7, v3;
	v4 =	vand.u32 $0xFFFFFFF0, v33  }
0x3f: {  	v3 =	vor.u32 v3, v4  }
0x40: {  	v4 =	vperm.xlane v3, v0;
	_ =	sdelay $0x1  }
0x41: {  	v3 =	vperm.xlane v3, v2;
	v4 =	vadd.s32 v1, v4;
	_ =	sdelay $0x1  }
0x42: {  	v3 =	vadd.s32 v1, v3;
	_ =	sdelay $0x2  }
0x43: {  	[tilespmem:s24], [sflag:$0x1] =	stream.indirect_vreg.gather [hbm4b:s0+s6], $0x80, v4, vm0, $0xb8;
	[tilespmem:$0x15000] =	vst v63  }
0x44: {  	_ = 	snop  }
0x45: {  	[tilespmem:s25], [sflag:$0x1] =	stream.indirect_vreg.gather [hbm4b:s0+s6], $0x80, v3, vm0, $0xb8;
	[tilespmem:$0x15000] =	vst v63  }
0x46: {  	v3 =	vld [tilespmem:$0x20];
	_ =	sdelay $0x4  }
0x47: {  	v34 =	vshll.u32 v3, $0x1  }
0x48: {  	v3 =	vand.u32 $0x7, v3;
	v4 =	vand.u32 $0xFFFFFFF0, v34  }
0x49: {  	v3 =	vor.u32 v3, v4  }
0x4a: {  	v4 =	vperm.xlane v3, v0;
	_ =	sdelay $0x1  }
0x4b: {  	v3 =	vperm.xlane v3, v2;
	v4 =	vadd.s32 v1, v4;
	_ =	sdelay $0x1  }
0x4c: {  	v3 =	vadd.s32 v1, v3;
	_ =	sdelay $0x2  }
0x4d: {  	[tilespmem:s26], [sflag:$0x1] =	stream.indirect_vreg.gather [hbm4b:s0+s6], $0x80, v4, vm0, $0xb8;
	[tilespmem:$0x15000] =	vst v63  }
0x4e: {  	_ = 	snop  }
0x4f: {  	[tilespmem:s28], [sflag:$0x1] =	stream.indirect_vreg.gather [hbm4b:s0+s6], $0x80, v3, vm0, $0xb8;
	[tilespmem:$0x15000] =	vst v63  }
0x50: {  	v3 =	vld [tilespmem:$0x30];
	_ =	sdelay $0x4  }
0x51: {  	v35 =	vshll.u32 v3, $0x1  }
0x52: {  	v3 =	vand.u32 $0x7, v3;
	v4 =	vand.u32 $0xFFFFFFF0, v35  }
0x53: {  	v3 =	vor.u32 v3, v4  }
0x54: {  	v4 =	vperm.xlane v3, v0;
	_ =	sdelay $0x1  }
0x55: {  	v3 =	vperm.xlane v3, v2;
	v4 =	vadd.s32 v1, v4;
	_ =	sdelay $0x1  }
0x56: {  	v3 =	vadd.s32 v1, v3;
	_ =	sdelay $0x2  }
0x57: {  	[tilespmem:s30], [sflag:$0x1] =	stream.indirect_vreg.gather [hbm4b:s0+s6], $0x80, v4, vm0, $0xb8;
	[tilespmem:$0x15000] =	vst v63  }
0x58: {  	_ = 	snop  }
0x59: {  	[tilespmem:s31], [sflag:$0x1] =	stream.indirect_vreg.gather [hbm4b:s0+s6], $0x80, v3, vm0, $0xb8;
	[tilespmem:$0x15000] =	vst v63  }
0x5a: {  	v3 =	vld [tilespmem:$0x400];
	_ =	sdelay $0x4  }
0x5b: {  	v36 =	vshll.u32 v3, $0x1  }
0x5c: {  	v3 =	vand.u32 $0x7, v3;
	v4 =	vand.u32 $0xFFFFFFF0, v36  }
0x5d: {  	v3 =	vor.u32 v3, v4  }
0x5e: {  	v4 =	vperm.xlane v3, v0;
	_ =	sdelay $0x1  }
0x5f: {  	v3 =	vperm.xlane v3, v2;
	v4 =	vadd.s32 v1, v4;
	_ =	sdelay $0x1  }
0x60: {  	v3 =	vadd.s32 v1, v3;
	_ =	sdelay $0x1  }
0x61: {  	s7 =	simm.s32 $0x5000  }
0x62: {  	[tilespmem:s7], [sflag:$0x2] =	stream.indirect_vreg.gather [hbm4b:s1+s6], $0x80, v4, vm0, $0xb8;
	[tilespmem:$0x15000] =	vst v63  }
0x63: {  	_ = 	snop  }
0x64: {  	[tilespmem:s9], [sflag:$0x2] =	stream.indirect_vreg.gather [hbm4b:s1+s6], $0x80, v3, vm0, $0xb8;
	[tilespmem:$0x15000] =	vst v63  }
0x65: {  	v3 =	vld [tilespmem:$0x410];
	_ =	sdelay $0x4  }
0x66: {  	v37 =	vshll.u32 v3, $0x1  }
0x67: {  	v3 =	vand.u32 $0x7, v3;
	v4 =	vand.u32 $0xFFFFFFF0, v37  }
0x68: {  	v3 =	vor.u32 v3, v4  }
0x69: {  	v4 =	vperm.xlane v3, v0;
	_ =	sdelay $0x1  }
0x6a: {  	v3 =	vperm.xlane v3, v2;
	v4 =	vadd.s32 v1, v4;
	_ =	sdelay $0x1  }
0x6b: {  	v3 =	vadd.s32 v1, v3;
	_ =	sdelay $0x2  }
0x6c: {  	[tilespmem:s8], [sflag:$0x2] =	stream.indirect_vreg.gather [hbm4b:s1+s6], $0x80, v4, vm0, $0xb8;
	[tilespmem:$0x15000] =	vst v63  }
0x6d: {  	s18 =	simm.s32 $0x6800  }
0x6e: {  	[tilespmem:s18], [sflag:$0x2] =	stream.indirect_vreg.gather [hbm4b:s1+s6], $0x80, v3, vm0, $0xb8;
	[tilespmem:$0x15000] =	vst v63  }
0x6f: {  	v3 =	vld [tilespmem:$0x420];
	_ =	sdelay $0x4  }
0x70: {  	v38 =	vshll.u32 v3, $0x1  }
0x71: {  	v3 =	vand.u32 $0x7, v3;
	v4 =	vand.u32 $0xFFFFFFF0, v38  }
0x72: {  	v3 =	vor.u32 v3, v4  }
0x73: {  	v4 =	vperm.xlane v3, v0;
	_ =	sdelay $0x1  }
0x74: {  	v3 =	vperm.xlane v3, v2;
	v4 =	vadd.s32 v1, v4;
	_ =	sdelay $0x1  }
0x75: {  	v3 =	vadd.s32 v1, v3;
	_ =	sdelay $0x1  }
0x76: {  	s4 =	simm.s32 $0x7000  }
0x77: {  	[tilespmem:s4], [sflag:$0x2] =	stream.indirect_vreg.gather [hbm4b:s1+s6], $0x80, v4, vm0, $0xb8;
	[tilespmem:$0x15000] =	vst v63  }
0x78: {  	s7 =	simm.s32 $0x7800  }
0x79: {  	[tilespmem:s7], [sflag:$0x2] =	stream.indirect_vreg.gather [hbm4b:s1+s6], $0x80, v3, vm0, $0xb8;
	[tilespmem:$0x15000] =	vst v63  }
0x7a: {  	v3 =	vld [tilespmem:$0x430];
	_ =	sdelay $0x4  }
0x7b: {  	v39 =	vshll.u32 v3, $0x1  }
0x7c: {  	v3 =	vand.u32 $0x7, v3;
	v4 =	vand.u32 $0xFFFFFFF0, v39  }
0x7d: {  	v3 =	vor.u32 v3, v4  }
0x7e: {  	v4 =	vperm.xlane v3, v0;
	_ =	sdelay $0x1  }
0x7f: {  	v3 =	vperm.xlane v3, v2;
	v4 =	vadd.s32 v1, v4;
	_ =	sdelay $0x1  }
0x80: {  	v3 =	vadd.s32 v1, v3;
	_ =	sdelay $0x1  }
0x81: {  	s18 =	simm.s32 $0x8000  }
0x82: {  	[tilespmem:s18], [sflag:$0x2] =	stream.indirect_vreg.gather [hbm4b:s1+s6], $0x80, v4, vm0, $0xb8;
	[tilespmem:$0x15000] =	vst v63  }
0x83: {  	s4 =	simm.s32 $0x8800  }
0x84: {  	[tilespmem:s4], [sflag:$0x2] =	stream.indirect_vreg.gather [hbm4b:s1+s6], $0x80, v3, vm0, $0xb8;
	[tilespmem:$0x15000] =	vst v63  }
0x85: {  	v3 =	vld [tilespmem:$0x800];
	_ =	sdelay $0x4  }
0x86: {  	v40 =	vshll.u32 v3, $0x1  }
0x87: {  	v3 =	vand.u32 $0x7, v3;
	v4 =	vand.u32 $0xFFFFFFF0, v40  }
0x88: {  	v3 =	vor.u32 v3, v4  }
0x89: {  	v4 =	vperm.xlane v3, v0;
	_ =	sdelay $0x1  }
0x8a: {  	v3 =	vperm.xlane v3, v2;
	v4 =	vadd.s32 v1, v4;
	_ =	sdelay $0x1  }
0x8b: {  	v3 =	vadd.s32 v1, v3;
	_ =	sdelay $0x1  }
0x8c: {  	s7 =	simm.s32 $0x9000  }
0x8d: {  	[tilespmem:s7], [sflag:$0x3] =	stream.indirect_vreg.gather [hbm4b:s2+s6], $0x80, v4, vm0, $0xb8;
	[tilespmem:$0x15000] =	vst v63  }
0x8e: {  	_ = 	snop  }
0x8f: {  	[tilespmem:s14], [sflag:$0x3] =	stream.indirect_vreg.gather [hbm4b:s2+s6], $0x80, v3, vm0, $0xb8;
	[tilespmem:$0x15000] =	vst v63  }
0x90: {  	v3 =	vld [tilespmem:$0x810];
	_ =	sdelay $0x4  }
0x91: {  	v41 =	vshll.u32 v3, $0x1  }
0x92: {  	v3 =	vand.u32 $0x7, v3;
	v4 =	vand.u32 $0xFFFFFFF0, v41  }
0x93: {  	v3 =	vor.u32 v3, v4  }
0x94: {  	v4 =	vperm.xlane v3, v0;
	_ =	sdelay $0x1  }
0x95: {  	v3 =	vperm.xlane v3, v2;
	v4 =	vadd.s32 v1, v4;
	_ =	sdelay $0x1  }
0x96: {  	v3 =	vadd.s32 v1, v3;
	_ =	sdelay $0x1  }
0x97: {  	s18 =	simm.s32 $0xA000  }
0x98: {  	[tilespmem:s18], [sflag:$0x3] =	stream.indirect_vreg.gather [hbm4b:s2+s6], $0x80, v4, vm0, $0xb8;
	[tilespmem:$0x15000] =	vst v63  }
0x99: {  	s4 =	simm.s32 $0xA800  }
0x9a: {  	[tilespmem:s4], [sflag:$0x3] =	stream.indirect_vreg.gather [hbm4b:s2+s6], $0x80, v3, vm0, $0xb8;
	[tilespmem:$0x15000] =	vst v63  }
0x9b: {  	v3 =	vld [tilespmem:$0x820];
	_ =	sdelay $0x4  }
0x9c: {  	v42 =	vshll.u32 v3, $0x1  }
0x9d: {  	v3 =	vand.u32 $0x7, v3;
	v4 =	vand.u32 $0xFFFFFFF0, v42  }
0x9e: {  	v3 =	vor.u32 v3, v4  }
0x9f: {  	v4 =	vperm.xlane v3, v0;
	_ =	sdelay $0x1  }
0xa0: {  	v3 =	vperm.xlane v3, v2;
	v4 =	vadd.s32 v1, v4;
	_ =	sdelay $0x1  }
0xa1: {  	v3 =	vadd.s32 v1, v3;
	_ =	sdelay $0x1  }
0xa2: {  	s7 =	simm.s32 $0xB000  }
0xa3: {  	[tilespmem:s7], [sflag:$0x3] =	stream.indirect_vreg.gather [hbm4b:s2+s6], $0x80, v4, vm0, $0xb8;
	[tilespmem:$0x15000] =	vst v63  }
0xa4: {  	s18 =	simm.s32 $0xB800  }
0xa5: {  	[tilespmem:s18], [sflag:$0x3] =	stream.indirect_vreg.gather [hbm4b:s2+s6], $0x80, v3, vm0, $0xb8;
	[tilespmem:$0x15000] =	vst v63  }
0xa6: {  	v3 =	vld [tilespmem:$0x830];
	_ =	sdelay $0x4  }
0xa7: {  	v43 =	vshll.u32 v3, $0x1  }
0xa8: {  	v3 =	vand.u32 $0x7, v3;
	v4 =	vand.u32 $0xFFFFFFF0, v43  }
0xa9: {  	v3 =	vor.u32 v3, v4  }
0xaa: {  	v4 =	vperm.xlane v3, v0;
	_ =	sdelay $0x1  }
0xab: {  	v3 =	vperm.xlane v3, v2;
	v4 =	vadd.s32 v1, v4;
	_ =	sdelay $0x1  }
0xac: {  	v3 =	vadd.s32 v1, v3;
	_ =	sdelay $0x1  }
0xad: {  	s4 =	simm.s32 $0xC000  }
0xae: {  	[tilespmem:s4], [sflag:$0x3] =	stream.indirect_vreg.gather [hbm4b:s2+s6], $0x80, v4, vm0, $0xb8;
	[tilespmem:$0x15000] =	vst v63  }
0xaf: {  	s7 =	simm.s32 $0xC800  }
0xb0: {  	[tilespmem:s7], [sflag:$0x3] =	stream.indirect_vreg.gather [hbm4b:s2+s6], $0x80, v3, vm0, $0xb8;
	[tilespmem:$0x15000] =	vst v63  }
0xb1: {  	v3 =	vld [tilespmem:$0xC00];
	_ =	sdelay $0x4  }
0xb2: {  	v44 =	vshll.u32 v3, $0x1  }
0xb3: {  	v3 =	vand.u32 $0x7, v3;
	v4 =	vand.u32 $0xFFFFFFF0, v44  }
0xb4: {  	v3 =	vor.u32 v3, v4  }
0xb5: {  	v4 =	vperm.xlane v3, v0;
	_ =	sdelay $0x1  }
0xb6: {  	v3 =	vperm.xlane v3, v2;
	v4 =	vadd.s32 v1, v4;
	_ =	sdelay $0x1  }
0xb7: {  	v3 =	vadd.s32 v1, v3;
	_ =	sdelay $0x1  }
0xb8: {  	s18 =	simm.s32 $0xD000  }
0xb9: {  	[tilespmem:s18], [sflag:$0x4] =	stream.indirect_vreg.gather [hbm4b:s5+s6], $0x80, v4, vm0, $0xb8;
	[tilespmem:$0x15000] =	vst v63  }
0xba: {  	_ = 	snop  }
0xbb: {  	[tilespmem:s17], [sflag:$0x4] =	stream.indirect_vreg.gather [hbm4b:s5+s6], $0x80, v3, vm0, $0xb8;
	[tilespmem:$0x15000] =	vst v63  }
0xbc: {  	v3 =	vld [tilespmem:$0xC10];
	_ =	sdelay $0x4  }
0xbd: {  	v45 =	vshll.u32 v3, $0x1  }
0xbe: {  	v3 =	vand.u32 $0x7, v3;
	v4 =	vand.u32 $0xFFFFFFF0, v45  }
0xbf: {  	v3 =	vor.u32 v3, v4  }
0xc0: {  	v4 =	vperm.xlane v3, v0;
	_ =	sdelay $0x1  }
0xc1: {  	v3 =	vperm.xlane v3, v2;
	v4 =	vadd.s32 v1, v4;
	_ =	sdelay $0x1  }
0xc2: {  	v3 =	vadd.s32 v1, v3;
	_ =	sdelay $0x2  }
0xc3: {  	[tilespmem:s15], [sflag:$0x4] =	stream.indirect_vreg.gather [hbm4b:s5+s6], $0x80, v4, vm0, $0xb8;
	[tilespmem:$0x15000] =	vst v63  }
0xc4: {  	s4 =	simm.s32 $0xE800  }
0xc5: {  	[tilespmem:s4], [sflag:$0x4] =	stream.indirect_vreg.gather [hbm4b:s5+s6], $0x80, v3, vm0, $0xb8;
	[tilespmem:$0x15000] =	vst v63  }
0xc6: {  	v3 =	vld [tilespmem:$0xC20];
	_ =	sdelay $0x4  }
0xc7: {  	v46 =	vshll.u32 v3, $0x1  }
0xc8: {  	v3 =	vand.u32 $0x7, v3;
	v4 =	vand.u32 $0xFFFFFFF0, v46  }
0xc9: {  	v3 =	vor.u32 v3, v4  }
0xca: {  	v4 =	vperm.xlane v3, v0;
	_ =	sdelay $0x1  }
0xcb: {  	v3 =	vperm.xlane v3, v2;
	v4 =	vadd.s32 v1, v4;
	_ =	sdelay $0x1  }
0xcc: {  	v3 =	vadd.s32 v1, v3;
	_ =	sdelay $0x1  }
0xcd: {  	s7 =	simm.s32 $0xF000  }
0xce: {  	[tilespmem:s7], [sflag:$0x4] =	stream.indirect_vreg.gather [hbm4b:s5+s6], $0x80, v4, vm0, $0xb8;
	[tilespmem:$0x15000] =	vst v63  }
0xcf: {  	s15 =	simm.s32 $0xF800  }
0xd0: {  	[tilespmem:s15], [sflag:$0x4] =	stream.indirect_vreg.gather [hbm4b:s5+s6], $0x80, v3, vm0, $0xb8;
	[tilespmem:$0x15000] =	vst v63  }
0xd1: {  	v3 =	vld [tilespmem:$0xC30];
	_ =	sdelay $0x4  }
0xd2: {  	v47 =	vshll.u32 v3, $0x1  }
0xd3: {  	v3 =	vand.u32 $0x7, v3;
	v4 =	vand.u32 $0xFFFFFFF0, v47  }
0xd4: {  	v3 =	vor.u32 v3, v4  }
0xd5: {  	v4 =	vperm.xlane v3, v0;
	_ =	sdelay $0x1  }
0xd6: {  	v3 =	vperm.xlane v3, v2;
	v4 =	vadd.s32 v1, v4;
	_ =	sdelay $0x1  }
0xd7: {  	v3 =	vadd.s32 v1, v3;
	_ =	sdelay $0x1  }
0xd8: {  	s18 =	simm.s32 $0x10000  }
0xd9: {  	[tilespmem:s18], [sflag:$0x4] =	stream.indirect_vreg.gather [hbm4b:s5+s6], $0x80, v4, vm0, $0xb8;
	[tilespmem:$0x15000] =	vst v63  }
0xda: {  	s4 =	simm.s32 $0x10800;
	s7 =	simm.s32 $0x1  }
0xdb: {  	[tilespmem:s4], [sflag:$0x4] =	stream.indirect_vreg.gather [hbm4b:s5+s6], $0x80, v3, vm0, $0xb8;
	[tilespmem:$0x15000] =	vst v63  }
0xdc: {  	_ =	swait.ge [sflag:s7], $0x4000  }
0xdd: {  	s30 =	simm.s32 $0x5;
	[sflag:s7] =	ssyncset.done $0x0  }
0xde: {  	s15 =	stileid.u32;
	s18 =	simm.s32 $0x1000;
	[sflag:s7] =	ssyncadd.s32 $0xFFFFC000  }
0xdf: {  	[spmem:s12] =	stream.linear.scatter [tilespmem:s18], [sflag:$0x5], $0x4000, $0x38;
	[tilespmem:$0x15000] =	vst v63  }
0xe0: {  	s4 =	sshll.u32 s15, $0x6;
	_ =	swait.ge [sflag:s30], $0x4000  }
0xe1: {  	s31 =	sor.u32 $0x1C09, s4;
	[sflag:s30] =	ssyncset.done $0x0  }
0xe2: {  	s3 =	rddreg [dreg:$0xb];
	[sflag:s30] =	ssyncadd.s32 $0xFFFFC000;
	s30 =	sshrl.u32 s12, $0x3  }
0xe3: {  	[hbm:s3@s23], [sflag:s31] =	dma.strided [spmem:s30@s13], $0x800, s11, $0x10   }
0xe4: {  	v3 =	vld [tilespmem:$0x40];
	_ =	sdelay $0x4  }
0xe5: {  	v48 =	vshll.u32 v3, $0x1  }
0xe6: {  	v3 =	vand.u32 $0x7, v3;
	v4 =	vand.u32 $0xFFFFFFF0, v48  }
0xe7: {  	v3 =	vor.u32 v3, v4  }
0xe8: {  	v4 =	vperm.xlane v3, v0;
	_ =	sdelay $0x1  }
0xe9: {  	v3 =	vperm.xlane v3, v2;
	v4 =	vadd.s32 v1, v4;
	_ =	sdelay $0x1  }
0xea: {  	v3 =	vadd.s32 v1, v3;
	_ =	sdelay $0x2  }
0xeb: {  	[tilespmem:s18], [sflag:$0x1] =	stream.indirect_vreg.gather [hbm4b:s0+s6], $0x80, v4, vm0, $0xb8;
	[tilespmem:$0x15000] =	vst v63  }
0xec: {  	_ = 	snop  }
0xed: {  	[tilespmem:s16], [sflag:$0x1] =	stream.indirect_vreg.gather [hbm4b:s0+s6], $0x80, v3, vm0, $0xb8;
	[tilespmem:$0x15000] =	vst v63  }
0xee: {  	v3 =	vld [tilespmem:$0x50];
	_ =	sdelay $0x4  }
0xef: {  	v49 =	vshll.u32 v3, $0x1  }
0xf0: {  	v3 =	vand.u32 $0x7, v3;
	v4 =	vand.u32 $0xFFFFFFF0, v49  }
0xf1: {  	v3 =	vor.u32 v3, v4  }
0xf2: {  	v4 =	vperm.xlane v3, v0;
	_ =	sdelay $0x1  }
0xf3: {  	v3 =	vperm.xlane v3, v2;
	v4 =	vadd.s32 v1, v4;
	_ =	sdelay $0x1  }
0xf4: {  	v3 =	vadd.s32 v1, v3;
	_ =	sdelay $0x2  }
0xf5: {  	[tilespmem:s24], [sflag:$0x1] =	stream.indirect_vreg.gather [hbm4b:s0+s6], $0x80, v4, vm0, $0xb8;
	[tilespmem:$0x15000] =	vst v63  }
0xf6: {  	_ = 	snop  }
0xf7: {  	[tilespmem:s25], [sflag:$0x1] =	stream.indirect_vreg.gather [hbm4b:s0+s6], $0x80, v3, vm0, $0xb8;
	[tilespmem:$0x15000] =	vst v63  }
0xf8: {  	v3 =	vld [tilespmem:$0x60];
	_ =	sdelay $0x4  }
0xf9: {  	v50 =	vshll.u32 v3, $0x1  }
0xfa: {  	v3 =	vand.u32 $0x7, v3;
	v4 =	vand.u32 $0xFFFFFFF0, v50  }
0xfb: {  	v3 =	vor.u32 v3, v4  }
0xfc: {  	v4 =	vperm.xlane v3, v0;
	_ =	sdelay $0x1  }
0xfd: {  	v3 =	vperm.xlane v3, v2;
	v4 =	vadd.s32 v1, v4;
	_ =	sdelay $0x1  }
0xfe: {  	v3 =	vadd.s32 v1, v3;
	_ =	sdelay $0x2  }
0xff: {  	[tilespmem:s26], [sflag:$0x1] =	stream.indirect_vreg.gather [hbm4b:s0+s6], $0x80, v4, vm0, $0xb8;
	[tilespmem:$0x15000] =	vst v63  }
0x100: {  	_ = 	snop  }
0x101: {  	[tilespmem:s28], [sflag:$0x1] =	stream.indirect_vreg.gather [hbm4b:s0+s6], $0x80, v3, vm0, $0xb8;
	[tilespmem:$0x15000] =	vst v63  }
0x102: {  	v3 =	vld [tilespmem:$0x70];
	_ =	sdelay $0x4  }
0x103: {  	v51 =	vshll.u32 v3, $0x1  }
0x104: {  	v3 =	vand.u32 $0x7, v3;
	v4 =	vand.u32 $0xFFFFFFF0, v51  }
0x105: {  	v3 =	vor.u32 v3, v4  }
0x106: {  	v4 =	vperm.xlane v3, v0;
	_ =	sdelay $0x1  }
0x107: {  	v3 =	vperm.xlane v3, v2;
	v4 =	vadd.s32 v1, v4;
	_ =	sdelay $0x1  }
0x108: {  	v3 =	vadd.s32 v1, v3;
	_ =	sdelay $0x1  }
0x109: {  	s15 =	simm.s32 $0x4000  }
0x10a: {  	[tilespmem:s15], [sflag:$0x1] =	stream.indirect_vreg.gather [hbm4b:s0+s6], $0x80, v4, vm0, $0xb8;
	[tilespmem:$0x15000] =	vst v63  }
0x10b: {  	s7 =	simm.s32 $0x4800;
	s24 =	simm.s32 $0x2  }
0x10c: {  	[tilespmem:s7], [sflag:$0x1] =	stream.indirect_vreg.gather [hbm4b:s0+s6], $0x80, v3, vm0, $0xb8;
	[tilespmem:$0x15000] =	vst v63  }
0x10d: {  	_ =	swait.ge [sflag:s24], $0x4000  }
0x10e: {  	[sflag:s24] =	ssyncset.done $0x0  }
0x10f: {  	s25 =	simm.s32 $0x5000;
	s26 =	simm.s32 $0x6;
	[sflag:s24] =	ssyncadd.s32 $0xFFFFC000  }
0x110: {  	[spmem:s12] =	stream.linear.scatter [tilespmem:s25], [sflag:$0x6], $0x4000, $0x38;
	[tilespmem:$0x15000] =	vst v63  }
0x111: {  	_ =	swait.ge [sflag:s26], $0x4000  }
0x112: {  	[sflag:s26] =	ssyncset.done $0x0  }
0x113: {  	s3 =	sor.u32 $0x1C0A, s4;
	s28 =	rddreg [dreg:$0xd];
	[sflag:s26] =	ssyncadd.s32 $0xFFFFC000  }
0x114: {  	[hbm:s28@s23], [sflag:s3] =	dma.strided [spmem:s30@s13], $0x800, s11, $0x10   }
0x115: {  	v3 =	vld [tilespmem:$0x440];
	_ =	sdelay $0x4  }
0x116: {  	v52 =	vshll.u32 v3, $0x1  }
0x117: {  	v3 =	vand.u32 $0x7, v3;
	v4 =	vand.u32 $0xFFFFFFF0, v52  }
0x118: {  	v3 =	vor.u32 v3, v4  }
0x119: {  	v4 =	vperm.xlane v3, v0;
	_ =	sdelay $0x1  }
0x11a: {  	v3 =	vperm.xlane v3, v2;
	v4 =	vadd.s32 v1, v4;
	_ =	sdelay $0x1  }
0x11b: {  	v3 =	vadd.s32 v1, v3;
	_ =	sdelay $0x2  }
0x11c: {  	[tilespmem:s25], [sflag:$0x2] =	stream.indirect_vreg.gather [hbm4b:s1+s6], $0x80, v4, vm0, $0xb8;
	[tilespmem:$0x15000] =	vst v63  }
0x11d: {  	_ = 	snop  }
0x11e: {  	[tilespmem:s9], [sflag:$0x2] =	stream.indirect_vreg.gather [hbm4b:s1+s6], $0x80, v3, vm0, $0xb8;
	[tilespmem:$0x15000] =	vst v63  }
0x11f: {  	v3 =	vld [tilespmem:$0x450];
	_ =	sdelay $0x4  }
0x120: {  	v53 =	vshll.u32 v3, $0x1  }
0x121: {  	v3 =	vand.u32 $0x7, v3;
	v4 =	vand.u32 $0xFFFFFFF0, v53  }
0x122: {  	v3 =	vor.u32 v3, v4  }
0x123: {  	v4 =	vperm.xlane v3, v0;
	_ =	sdelay $0x1  }
0x124: {  	v3 =	vperm.xlane v3, v2;
	v4 =	vadd.s32 v1, v4;
	_ =	sdelay $0x1  }
0x125: {  	v3 =	vadd.s32 v1, v3;
	_ =	sdelay $0x2  }
0x126: {  	[tilespmem:s8], [sflag:$0x2] =	stream.indirect_vreg.gather [hbm4b:s1+s6], $0x80, v4, vm0, $0xb8;
	[tilespmem:$0x15000] =	vst v63  }
0x127: {  	s15 =	simm.s32 $0x6800  }
0x128: {  	[tilespmem:s15], [sflag:$0x2] =	stream.indirect_vreg.gather [hbm4b:s1+s6], $0x80, v3, vm0, $0xb8;
	[tilespmem:$0x15000] =	vst v63  }
0x129: {  	v3 =	vld [tilespmem:$0x460];
	_ =	sdelay $0x4  }
0x12a: {  	v54 =	vshll.u32 v3, $0x1  }
0x12b: {  	v3 =	vand.u32 $0x7, v3;
	v4 =	vand.u32 $0xFFFFFFF0, v54  }
0x12c: {  	v3 =	vor.u32 v3, v4  }
0x12d: {  	v4 =	vperm.xlane v3, v0;
	_ =	sdelay $0x1  }
0x12e: {  	v3 =	vperm.xlane v3, v2;
	v4 =	vadd.s32 v1, v4;
	_ =	sdelay $0x1  }
0x12f: {  	v3 =	vadd.s32 v1, v3;
	_ =	sdelay $0x1  }
0x130: {  	s16 =	simm.s32 $0x7000  }
0x131: {  	[tilespmem:s16], [sflag:$0x2] =	stream.indirect_vreg.gather [hbm4b:s1+s6], $0x80, v4, vm0, $0xb8;
	[tilespmem:$0x15000] =	vst v63  }
0x132: {  	s18 =	simm.s32 $0x7800  }
0x133: {  	[tilespmem:s18], [sflag:$0x2] =	stream.indirect_vreg.gather [hbm4b:s1+s6], $0x80, v3, vm0, $0xb8;
	[tilespmem:$0x15000] =	vst v63  }
0x134: {  	v3 =	vld [tilespmem:$0x470];
	_ =	sdelay $0x4  }
0x135: {  	v55 =	vshll.u32 v3, $0x1  }
0x136: {  	v3 =	vand.u32 $0x7, v3;
	v4 =	vand.u32 $0xFFFFFFF0, v55  }
0x137: {  	v3 =	vor.u32 v3, v4  }
0x138: {  	v4 =	vperm.xlane v3, v0;
	_ =	sdelay $0x1  }
0x139: {  	v3 =	vperm.xlane v3, v2;
	v4 =	vadd.s32 v1, v4;
	_ =	sdelay $0x1  }
0x13a: {  	v3 =	vadd.s32 v1, v3;
	_ =	sdelay $0x1  }
0x13b: {  	s24 =	simm.s32 $0x8000  }
0x13c: {  	[tilespmem:s24], [sflag:$0x2] =	stream.indirect_vreg.gather [hbm4b:s1+s6], $0x80, v4, vm0, $0xb8;
	[tilespmem:$0x15000] =	vst v63  }
0x13d: {  	s26 =	simm.s32 $0x3;
	s25 =	simm.s32 $0x8800  }
0x13e: {  	[tilespmem:s25], [sflag:$0x2] =	stream.indirect_vreg.gather [hbm4b:s1+s6], $0x80, v3, vm0, $0xb8;
	[tilespmem:$0x15000] =	vst v63  }
0x13f: {  	_ =	swait.ge [sflag:s26], $0x4000  }
0x140: {  	[sflag:s26] =	ssyncset.done $0x0  }
0x141: {  	s28 =	simm.s32 $0x9000;
	s9 =	simm.s32 $0x7;
	[sflag:s26] =	ssyncadd.s32 $0xFFFFC000  }
0x142: {  	[spmem:s12] =	stream.linear.scatter [tilespmem:s28], [sflag:$0x7], $0x4000, $0x38;
	[tilespmem:$0x15000] =	vst v63  }
0x143: {  	_ =	swait.ge [sflag:s9], $0x4000  }
0x144: {  	[sflag:s9] =	ssyncset.done $0x0  }
0x145: {  	s24 =	sor.u32 $0x1C0B, s4;
	s15 =	rddreg [dreg:$0xe];
	[sflag:s9] =	ssyncadd.s32 $0xFFFFC000  }
0x146: {  	[hbm:s15@s23], [sflag:s24] =	dma.strided [spmem:s30@s13], $0x800, s11, $0x10   }
0x147: {  	v3 =	vld [tilespmem:$0x840];
	_ =	sdelay $0x4  }
0x148: {  	v56 =	vshll.u32 v3, $0x1  }
0x149: {  	v3 =	vand.u32 $0x7, v3;
	v4 =	vand.u32 $0xFFFFFFF0, v56  }
0x14a: {  	v3 =	vor.u32 v3, v4  }
0x14b: {  	v4 =	vperm.xlane v3, v0;
	_ =	sdelay $0x1  }
0x14c: {  	v3 =	vperm.xlane v3, v2;
	v4 =	vadd.s32 v1, v4;
	_ =	sdelay $0x1  }
0x14d: {  	v3 =	vadd.s32 v1, v3;
	_ =	sdelay $0x2  }
0x14e: {  	[tilespmem:s28], [sflag:$0x3] =	stream.indirect_vreg.gather [hbm4b:s2+s6], $0x80, v4, vm0, $0xb8;
	[tilespmem:$0x15000] =	vst v63  }
0x14f: {  	_ = 	snop  }
0x150: {  	[tilespmem:s14], [sflag:$0x3] =	stream.indirect_vreg.gather [hbm4b:s2+s6], $0x80, v3, vm0, $0xb8;
	[tilespmem:$0x15000] =	vst v63  }
0x151: {  	v3 =	vld [tilespmem:$0x850];
	_ =	sdelay $0x4  }
0x152: {  	v57 =	vshll.u32 v3, $0x1  }
0x153: {  	v3 =	vand.u32 $0x7, v3;
	v4 =	vand.u32 $0xFFFFFFF0, v57  }
0x154: {  	v3 =	vor.u32 v3, v4  }
0x155: {  	v4 =	vperm.xlane v3, v0;
	_ =	sdelay $0x1  }
0x156: {  	v3 =	vperm.xlane v3, v2;
	v4 =	vadd.s32 v1, v4;
	_ =	sdelay $0x1  }
0x157: {  	v3 =	vadd.s32 v1, v3;
	_ =	sdelay $0x1  }
0x158: {  	s16 =	simm.s32 $0xA000  }
0x159: {  	[tilespmem:s16], [sflag:$0x3] =	stream.indirect_vreg.gather [hbm4b:s2+s6], $0x80, v4, vm0, $0xb8;
	[tilespmem:$0x15000] =	vst v63  }
0x15a: {  	s18 =	simm.s32 $0xA800  }
0x15b: {  	[tilespmem:s18], [sflag:$0x3] =	stream.indirect_vreg.gather [hbm4b:s2+s6], $0x80, v3, vm0, $0xb8;
	[tilespmem:$0x15000] =	vst v63  }
0x15c: {  	v3 =	vld [tilespmem:$0x860];
	_ =	sdelay $0x4  }
0x15d: {  	v58 =	vshll.u32 v3, $0x1  }
0x15e: {  	v3 =	vand.u32 $0x7, v3;
	v4 =	vand.u32 $0xFFFFFFF0, v58  }
0x15f: {  	v3 =	vor.u32 v3, v4  }
0x160: {  	v4 =	vperm.xlane v3, v0;
	_ =	sdelay $0x1  }
0x161: {  	v3 =	vperm.xlane v3, v2;
	v4 =	vadd.s32 v1, v4;
	_ =	sdelay $0x1  }
0x162: {  	v3 =	vadd.s32 v1, v3;
	_ =	sdelay $0x1  }
0x163: {  	s25 =	simm.s32 $0xB000  }
0x164: {  	[tilespmem:s25], [sflag:$0x3] =	stream.indirect_vreg.gather [hbm4b:s2+s6], $0x80, v4, vm0, $0xb8;
	[tilespmem:$0x15000] =	vst v63  }
0x165: {  	s26 =	simm.s32 $0xB800  }
0x166: {  	[tilespmem:s26], [sflag:$0x3] =	stream.indirect_vreg.gather [hbm4b:s2+s6], $0x80, v3, vm0, $0xb8;
	[tilespmem:$0x15000] =	vst v63  }
0x167: {  	v3 =	vld [tilespmem:$0x870];
	_ =	sdelay $0x4  }
0x168: {  	v59 =	vshll.u32 v3, $0x1  }
0x169: {  	v3 =	vand.u32 $0x7, v3;
	v4 =	vand.u32 $0xFFFFFFF0, v59  }
0x16a: {  	v3 =	vor.u32 v3, v4  }
0x16b: {  	v4 =	vperm.xlane v3, v0;
	_ =	sdelay $0x1  }
0x16c: {  	v3 =	vperm.xlane v3, v2;
	v4 =	vadd.s32 v1, v4;
	_ =	sdelay $0x1  }
0x16d: {  	v3 =	vadd.s32 v1, v3;
	_ =	sdelay $0x1  }
0x16e: {  	s28 =	simm.s32 $0xC000  }
0x16f: {  	[tilespmem:s28], [sflag:$0x3] =	stream.indirect_vreg.gather [hbm4b:s2+s6], $0x80, v4, vm0, $0xb8;
	[tilespmem:$0x15000] =	vst v63  }
0x170: {  	s8 =	simm.s32 $0xC800  }
0x171: {  	[tilespmem:s8], [sflag:$0x3] =	stream.indirect_vreg.gather [hbm4b:s2+s6], $0x80, v3, vm0, $0xb8;
	[tilespmem:$0x15000] =	vst v63  }
0x172: {  	_ =	swait.ge [sflag:s19], $0x4000  }
0x173: {  	[sflag:s19] =	ssyncset.done $0x0  }
0x174: {  	s9 =	simm.s32 $0xD000;
	[sflag:s19] =	ssyncadd.s32 $0xFFFFC000  }
0x175: {  	[spmem:s12] =	stream.linear.scatter [tilespmem:s9], [sflag:$0x8], $0x4000, $0x38;
	[tilespmem:$0x15000] =	vst v63  }
0x176: {  	_ =	swait.ge [sflag:s20], $0x4000  }
0x177: {  	[sflag:s20] =	ssyncset.done $0x0  }
0x178: {  	s25 =	sor.u32 $0x1C0C, s4;
	s14 =	rddreg [dreg:$0xf];
	[sflag:s20] =	ssyncadd.s32 $0xFFFFC000  }
0x179: {  	[hbm:s14@s23], [sflag:s25] =	dma.strided [spmem:s30@s13], $0x800, s11, $0x10   }
0x17a: {  	v3 =	vld [tilespmem:$0xC40];
	_ =	sdelay $0x4  }
0x17b: {  	v60 =	vshll.u32 v3, $0x1  }
0x17c: {  	v3 =	vand.u32 $0x7, v3;
	v4 =	vand.u32 $0xFFFFFFF0, v60  }
0x17d: {  	v3 =	vor.u32 v3, v4  }
0x17e: {  	v4 =	vperm.xlane v3, v0;
	_ =	sdelay $0x1  }
0x17f: {  	v3 =	vperm.xlane v3, v2;
	v4 =	vadd.s32 v1, v4;
	_ =	sdelay $0x1  }
0x180: {  	v3 =	vadd.s32 v1, v3;
	_ =	sdelay $0x2  }
0x181: {  	[tilespmem:s9], [sflag:$0x4] =	stream.indirect_vreg.gather [hbm4b:s5+s6], $0x80, v4, vm0, $0xb8;
	[tilespmem:$0x15000] =	vst v63  }
0x182: {  	_ = 	snop  }
0x183: {  	[tilespmem:s17], [sflag:$0x4] =	stream.indirect_vreg.gather [hbm4b:s5+s6], $0x80, v3, vm0, $0xb8;
	[tilespmem:$0x15000] =	vst v63  }
0x184: {  	v3 =	vld [tilespmem:$0xC50];
	_ =	sdelay $0x4  }
0x185: {  	v61 =	vshll.u32 v3, $0x1  }
0x186: {  	v3 =	vand.u32 $0x7, v3;
	v4 =	vand.u32 $0xFFFFFFF0, v61  }
0x187: {  	v3 =	vor.u32 v3, v4  }
0x188: {  	v4 =	vperm.xlane v3, v0;
	_ =	sdelay $0x1  }
0x189: {  	v3 =	vperm.xlane v3, v2;
	v4 =	vadd.s32 v1, v4;
	_ =	sdelay $0x1  }
0x18a: {  	v3 =	vadd.s32 v1, v3;
	_ =	sdelay $0x1  }
0x18b: {  	s15 =	simm.s32 $0xE000  }
0x18c: {  	[tilespmem:s15], [sflag:$0x4] =	stream.indirect_vreg.gather [hbm4b:s5+s6], $0x80, v4, vm0, $0xb8;
	[tilespmem:$0x15000] =	vst v63  }
0x18d: {  	s16 =	simm.s32 $0xE800  }
0x18e: {  	[tilespmem:s16], [sflag:$0x4] =	stream.indirect_vreg.gather [hbm4b:s5+s6], $0x80, v3, vm0, $0xb8;
	[tilespmem:$0x15000] =	vst v63  }
0x18f: {  	v3 =	vld [tilespmem:$0xC60];
	_ =	sdelay $0x4  }
0x190: {  	v62 =	vshll.u32 v3, $0x1  }
0x191: {  	v3 =	vand.u32 $0x7, v3;
	v4 =	vand.u32 $0xFFFFFFF0, v62  }
0x192: {  	v3 =	vor.u32 v3, v4  }
0x193: {  	v4 =	vperm.xlane v3, v0;
	_ =	sdelay $0x1  }
0x194: {  	v3 =	vperm.xlane v3, v2;
	v4 =	vadd.s32 v1, v4;
	_ =	sdelay $0x1  }
0x195: {  	v3 =	vadd.s32 v1, v3;
	_ =	sdelay $0x1  }
0x196: {  	s17 =	simm.s32 $0xF000  }
0x197: {  	[tilespmem:s17], [sflag:$0x4] =	stream.indirect_vreg.gather [hbm4b:s5+s6], $0x80, v4, vm0, $0xb8;
	[tilespmem:$0x15000] =	vst v63  }
0x198: {  	s18 =	simm.s32 $0xF800  }
0x199: {  	[tilespmem:s18], [sflag:$0x4] =	stream.indirect_vreg.gather [hbm4b:s5+s6], $0x80, v3, vm0, $0xb8;
	[tilespmem:$0x15000] =	vst v63  }
0x19a: {  	v3 =	vld [tilespmem:$0xC70];
	_ =	sdelay $0x4  }
0x19b: {  	v63 =	vshll.u32 v3, $0x1  }
0x19c: {  	v3 =	vand.u32 $0x7, v3;
	v4 =	vand.u32 $0xFFFFFFF0, v63  }
0x19d: {  	v3 =	vor.u32 v3, v4  }
0x19e: {  	v4 =	vperm.xlane v3, v0;
	_ =	sdelay $0x1  }
0x19f: {  	v3 =	vperm.xlane v3, v2;
	v4 =	vadd.s32 v1, v4;
	_ =	sdelay $0x1  }
0x1a0: {  	v3 =	vadd.s32 v1, v3;
	_ =	sdelay $0x1  }
0x1a1: {  	s26 =	simm.s32 $0x10000  }
0x1a2: {  	[tilespmem:s26], [sflag:$0x4] =	stream.indirect_vreg.gather [hbm4b:s5+s6], $0x80, v4, vm0, $0xb8;
	[tilespmem:$0x15000] =	vst v63  }
0x1a3: {  	s7 =	simm.s32 $0x0;
	s28 =	simm.s32 $0x10800;
	s26 =	rddreg [dreg:$0x15]  }
0x1a4: {  	[tilespmem:s28], [sflag:$0x4] =	stream.indirect_vreg.gather [hbm4b:s5+s6], $0x80, v3, vm0, $0xb8;
	[tilespmem:$0x15000] =	vst v63  }
.LBB2_2:
0x1a5: {  	s4 =	simm.s32 $0x1  }
0x1a6: {  	_ =	swait.ge [sflag:s4], $0x4000  }
0x1a7: {  	[sflag:s4] =	ssyncset.done $0x0  }
0x1a8: {  	s16 =	simm.s32 $0x1000;
	s18 =	simm.s32 $0x5;
	[sflag:s4] =	ssyncadd.s32 $0xFFFFC000  }
0x1a9: {  	[spmem:s12] =	stream.linear.scatter [tilespmem:s16], [sflag:$0x5], $0x4000, $0x38;
	[tilespmem:$0x15000] =	vst v63  }
0x1aa: {  	_ =	swait.ge [sflag:s18], $0x4000  }
0x1ab: {  	[sflag:s18] =	ssyncset.done $0x0  }
0x1ac: {  	[sflag:s18] =	ssyncadd.s32 $0xFFFFC000  }
0x1ad: {  	_ =	swait.ge [sflag:s21], $0x800  }
0x1ae: {  	[sflag:s21] =	ssyncset.done $0x0  }
0x1af: {  	s8 =	sadd.s32 $0xFFFFFD00, s26;
	s4 =	sshra.s32 s7, $0x2;
	[sflag:s21] =	ssyncadd.s32 $0xFFFFF800  }
0x1b0: {  	[hbm:s8@s23], [sflag:s31] =	dma.strided [spmem:s30@s13], $0x800, s11, $0x10   }
0x1b1: {  	v3 =	vld [tilespmem:s4+$0x80];
	_ =	sdelay $0x4  }
0x1b2: {  	v4 =	vshll.u32 v3, $0x1  }
0x1b3: {  	v3 =	vand.u32 $0x7, v3;
	v4 =	vand.u32 $0xFFFFFFF0, v4  }
0x1b4: {  	v3 =	vor.u32 v3, v4  }
0x1b5: {  	v4 =	vperm.xlane v3, v0;
	_ =	sdelay $0x1  }
0x1b6: {  	v3 =	vperm.xlane v3, v2;
	v4 =	vadd.s32 v1, v4;
	_ =	sdelay $0x1  }
0x1b7: {  	v3 =	vadd.s32 v1, v3;
	_ =	sdelay $0x2  }
0x1b8: {  	[tilespmem:s16], [sflag:$0x1] =	stream.indirect_vreg.gather [hbm4b:s0+s6], $0x80, v4, vm0, $0xb8;
	[tilespmem:$0x15000] =	vst v63  }
0x1b9: {  	s8 =	simm.s32 $0x1800  }
0x1ba: {  	[tilespmem:s8], [sflag:$0x1] =	stream.indirect_vreg.gather [hbm4b:s0+s6], $0x80, v3, vm0, $0xb8;
	[tilespmem:$0x15000] =	vst v63  }
0x1bb: {  	v3 =	vld [tilespmem:s4+$0x90];
	_ =	sdelay $0x4  }
0x1bc: {  	v49 =	vshll.u32 v3, $0x1  }
0x1bd: {  	v3 =	vand.u32 $0x7, v3;
	v4 =	vand.u32 $0xFFFFFFF0, v49  }
0x1be: {  	v3 =	vor.u32 v3, v4  }
0x1bf: {  	v4 =	vperm.xlane v3, v0;
	_ =	sdelay $0x1  }
0x1c0: {  	v3 =	vperm.xlane v3, v2;
	v4 =	vadd.s32 v1, v4;
	_ =	sdelay $0x1  }
0x1c1: {  	v3 =	vadd.s32 v1, v3;
	_ =	sdelay $0x1  }
0x1c2: {  	s9 =	simm.s32 $0x2000  }
0x1c3: {  	[tilespmem:s9], [sflag:$0x1] =	stream.indirect_vreg.gather [hbm4b:s0+s6], $0x80, v4, vm0, $0xb8;
	[tilespmem:$0x15000] =	vst v63  }
0x1c4: {  	s14 =	simm.s32 $0x2800  }
0x1c5: {  	[tilespmem:s14], [sflag:$0x1] =	stream.indirect_vreg.gather [hbm4b:s0+s6], $0x80, v3, vm0, $0xb8;
	[tilespmem:$0x15000] =	vst v63  }
0x1c6: {  	v3 =	vld [tilespmem:s4+$0xA0];
	_ =	sdelay $0x4  }
0x1c7: {  	v50 =	vshll.u32 v3, $0x1  }
0x1c8: {  	v3 =	vand.u32 $0x7, v3;
	v4 =	vand.u32 $0xFFFFFFF0, v50  }
0x1c9: {  	v3 =	vor.u32 v3, v4  }
0x1ca: {  	v4 =	vperm.xlane v3, v0;
	_ =	sdelay $0x1  }
0x1cb: {  	v3 =	vperm.xlane v3, v2;
	v4 =	vadd.s32 v1, v4;
	_ =	sdelay $0x1  }
0x1cc: {  	v3 =	vadd.s32 v1, v3;
	_ =	sdelay $0x1  }
0x1cd: {  	s15 =	simm.s32 $0x3000  }
0x1ce: {  	[tilespmem:s15], [sflag:$0x1] =	stream.indirect_vreg.gather [hbm4b:s0+s6], $0x80, v4, vm0, $0xb8;
	[tilespmem:$0x15000] =	vst v63  }
0x1cf: {  	s16 =	simm.s32 $0x3800  }
0x1d0: {  	[tilespmem:s16], [sflag:$0x1] =	stream.indirect_vreg.gather [hbm4b:s0+s6], $0x80, v3, vm0, $0xb8;
	[tilespmem:$0x15000] =	vst v63  }
0x1d1: {  	v3 =	vld [tilespmem:s4+$0xB0];
	_ =	sdelay $0x4  }
0x1d2: {  	v51 =	vshll.u32 v3, $0x1  }
0x1d3: {  	v3 =	vand.u32 $0x7, v3;
	v4 =	vand.u32 $0xFFFFFFF0, v51  }
0x1d4: {  	v3 =	vor.u32 v3, v4  }
0x1d5: {  	v4 =	vperm.xlane v3, v0;
	_ =	sdelay $0x1  }
0x1d6: {  	v3 =	vperm.xlane v3, v2;
	v4 =	vadd.s32 v1, v4;
	_ =	sdelay $0x1  }
0x1d7: {  	v3 =	vadd.s32 v1, v3;
	_ =	sdelay $0x1  }
0x1d8: {  	s17 =	simm.s32 $0x4000  }
0x1d9: {  	[tilespmem:s17], [sflag:$0x1] =	stream.indirect_vreg.gather [hbm4b:s0+s6], $0x80, v4, vm0, $0xb8;
	[tilespmem:$0x15000] =	vst v63  }
0x1da: {  	s18 =	simm.s32 $0x4800;
	s9 =	simm.s32 $0x2  }
0x1db: {  	[tilespmem:s18], [sflag:$0x1] =	stream.indirect_vreg.gather [hbm4b:s0+s6], $0x80, v3, vm0, $0xb8;
	[tilespmem:$0x15000] =	vst v63  }
0x1dc: {  	_ =	swait.ge [sflag:s9], $0x4000  }
0x1dd: {  	[sflag:s9] =	ssyncset.done $0x0  }
0x1de: {  	s14 =	simm.s32 $0x6;
	[sflag:s9] =	ssyncadd.s32 $0xFFFFC000;
	s9 =	simm.s32 $0x5000  }
0x1df: {  	[spmem:s12] =	stream.linear.scatter [tilespmem:s9], [sflag:$0x6], $0x4000, $0x38;
	[tilespmem:$0x15000] =	vst v63  }
0x1e0: {  	_ =	swait.ge [sflag:s14], $0x4000  }
0x1e1: {  	[sflag:s14] =	ssyncset.done $0x0  }
0x1e2: {  	[sflag:s14] =	ssyncadd.s32 $0xFFFFC000  }
0x1e3: {  	_ =	swait.ge [sflag:s10], $0x800  }
0x1e4: {  	[sflag:s10] =	ssyncset.done $0x0  }
0x1e5: {  	s15 =	sadd.s32 $0xFFFFFE00, s26;
	[sflag:s10] =	ssyncadd.s32 $0xFFFFF800  }
0x1e6: {  	[hbm:s15@s23], [sflag:s3] =	dma.strided [spmem:s30@s13], $0x800, s11, $0x10   }
0x1e7: {  	v3 =	vld [tilespmem:s4+$0x480];
	_ =	sdelay $0x4  }
0x1e8: {  	v52 =	vshll.u32 v3, $0x1  }
0x1e9: {  	v3 =	vand.u32 $0x7, v3;
	v4 =	vand.u32 $0xFFFFFFF0, v52  }
0x1ea: {  	v3 =	vor.u32 v3, v4  }
0x1eb: {  	v4 =	vperm.xlane v3, v0;
	_ =	sdelay $0x1  }
0x1ec: {  	v3 =	vperm.xlane v3, v2;
	v4 =	vadd.s32 v1, v4;
	_ =	sdelay $0x1  }
0x1ed: {  	v3 =	vadd.s32 v1, v3;
	_ =	sdelay $0x2  }
0x1ee: {  	[tilespmem:s9], [sflag:$0x2] =	stream.indirect_vreg.gather [hbm4b:s1+s6], $0x80, v4, vm0, $0xb8;
	[tilespmem:$0x15000] =	vst v63  }
0x1ef: {  	s9 =	simm.s32 $0x5800  }
0x1f0: {  	[tilespmem:s9], [sflag:$0x2] =	stream.indirect_vreg.gather [hbm4b:s1+s6], $0x80, v3, vm0, $0xb8;
	[tilespmem:$0x15000] =	vst v63  }
0x1f1: {  	v3 =	vld [tilespmem:s4+$0x490];
	_ =	sdelay $0x4  }
0x1f2: {  	v53 =	vshll.u32 v3, $0x1  }
0x1f3: {  	v3 =	vand.u32 $0x7, v3;
	v4 =	vand.u32 $0xFFFFFFF0, v53  }
0x1f4: {  	v3 =	vor.u32 v3, v4  }
0x1f5: {  	v4 =	vperm.xlane v3, v0;
	_ =	sdelay $0x1  }
0x1f6: {  	v3 =	vperm.xlane v3, v2;
	v4 =	vadd.s32 v1, v4;
	_ =	sdelay $0x1  }
0x1f7: {  	v3 =	vadd.s32 v1, v3;
	_ =	sdelay $0x1  }
0x1f8: {  	s14 =	simm.s32 $0x6000  }
0x1f9: {  	[tilespmem:s14], [sflag:$0x2] =	stream.indirect_vreg.gather [hbm4b:s1+s6], $0x80, v4, vm0, $0xb8;
	[tilespmem:$0x15000] =	vst v63  }
0x1fa: {  	s16 =	simm.s32 $0x6800  }
0x1fb: {  	[tilespmem:s16], [sflag:$0x2] =	stream.indirect_vreg.gather [hbm4b:s1+s6], $0x80, v3, vm0, $0xb8;
	[tilespmem:$0x15000] =	vst v63  }
0x1fc: {  	v3 =	vld [tilespmem:s4+$0x4A0];
	_ =	sdelay $0x4  }
0x1fd: {  	v54 =	vshll.u32 v3, $0x1  }
0x1fe: {  	v3 =	vand.u32 $0x7, v3;
	v4 =	vand.u32 $0xFFFFFFF0, v54  }
0x1ff: {  	v3 =	vor.u32 v3, v4  }
0x200: {  	v4 =	vperm.xlane v3, v0;
	_ =	sdelay $0x1  }
0x201: {  	v3 =	vperm.xlane v3, v2;
	v4 =	vadd.s32 v1, v4;
	_ =	sdelay $0x1  }
0x202: {  	v3 =	vadd.s32 v1, v3;
	_ =	sdelay $0x1  }
0x203: {  	s17 =	simm.s32 $0x7000  }
0x204: {  	[tilespmem:s17], [sflag:$0x2] =	stream.indirect_vreg.gather [hbm4b:s1+s6], $0x80, v4, vm0, $0xb8;
	[tilespmem:$0x15000] =	vst v63  }
0x205: {  	s18 =	simm.s32 $0x7800  }
0x206: {  	[tilespmem:s18], [sflag:$0x2] =	stream.indirect_vreg.gather [hbm4b:s1+s6], $0x80, v3, vm0, $0xb8;
	[tilespmem:$0x15000] =	vst v63  }
0x207: {  	v3 =	vld [tilespmem:s4+$0x4B0];
	_ =	sdelay $0x4  }
0x208: {  	v55 =	vshll.u32 v3, $0x1  }
0x209: {  	v3 =	vand.u32 $0x7, v3;
	v4 =	vand.u32 $0xFFFFFFF0, v55  }
0x20a: {  	v3 =	vor.u32 v3, v4  }
0x20b: {  	v4 =	vperm.xlane v3, v0;
	_ =	sdelay $0x1  }
0x20c: {  	v3 =	vperm.xlane v3, v2;
	v4 =	vadd.s32 v1, v4;
	_ =	sdelay $0x1  }
0x20d: {  	v3 =	vadd.s32 v1, v3;
	_ =	sdelay $0x1  }
0x20e: {  	s15 =	simm.s32 $0x8000  }
0x20f: {  	[tilespmem:s15], [sflag:$0x2] =	stream.indirect_vreg.gather [hbm4b:s1+s6], $0x80, v4, vm0, $0xb8;
	[tilespmem:$0x15000] =	vst v63  }
0x210: {  	s16 =	simm.s32 $0x8800;
	s17 =	simm.s32 $0x3  }
0x211: {  	[tilespmem:s16], [sflag:$0x2] =	stream.indirect_vreg.gather [hbm4b:s1+s6], $0x80, v3, vm0, $0xb8;
	[tilespmem:$0x15000] =	vst v63  }
0x212: {  	_ =	swait.ge [sflag:s17], $0x4000  }
0x213: {  	[sflag:s17] =	ssyncset.done $0x0  }
0x214: {  	s18 =	simm.s32 $0x9000;
	s15 =	simm.s32 $0x7;
	[sflag:s17] =	ssyncadd.s32 $0xFFFFC000  }
0x215: {  	[spmem:s12] =	stream.linear.scatter [tilespmem:s18], [sflag:$0x7], $0x4000, $0x38;
	[tilespmem:$0x15000] =	vst v63  }
0x216: {  	_ =	swait.ge [sflag:s15], $0x4000  }
0x217: {  	[sflag:s15] =	ssyncset.done $0x0  }
0x218: {  	[sflag:s15] =	ssyncadd.s32 $0xFFFFC000  }
0x219: {  	_ =	swait.ge [sflag:s22], $0x800  }
0x21a: {  	[sflag:s22] =	ssyncset.done $0x0  }
0x21b: {  	s17 =	sadd.s32 $0xFFFFFF00, s26;
	[sflag:s22] =	ssyncadd.s32 $0xFFFFF800  }
0x21c: {  	[hbm:s17@s23], [sflag:s24] =	dma.strided [spmem:s30@s13], $0x800, s11, $0x10   }
0x21d: {  	v3 =	vld [tilespmem:s4+$0x880];
	_ =	sdelay $0x4  }
0x21e: {  	v56 =	vshll.u32 v3, $0x1  }
0x21f: {  	v3 =	vand.u32 $0x7, v3;
	v4 =	vand.u32 $0xFFFFFFF0, v56  }
0x220: {  	v3 =	vor.u32 v3, v4  }
0x221: {  	v4 =	vperm.xlane v3, v0;
	_ =	sdelay $0x1  }
0x222: {  	v3 =	vperm.xlane v3, v2;
	v4 =	vadd.s32 v1, v4;
	_ =	sdelay $0x1  }
0x223: {  	v3 =	vadd.s32 v1, v3;
	_ =	sdelay $0x2  }
0x224: {  	[tilespmem:s18], [sflag:$0x3] =	stream.indirect_vreg.gather [hbm4b:s2+s6], $0x80, v4, vm0, $0xb8;
	[tilespmem:$0x15000] =	vst v63  }
0x225: {  	s14 =	simm.s32 $0x9800  }
0x226: {  	[tilespmem:s14], [sflag:$0x3] =	stream.indirect_vreg.gather [hbm4b:s2+s6], $0x80, v3, vm0, $0xb8;
	[tilespmem:$0x15000] =	vst v63  }
0x227: {  	v3 =	vld [tilespmem:s4+$0x890];
	_ =	sdelay $0x4  }
0x228: {  	v57 =	vshll.u32 v3, $0x1  }
0x229: {  	v3 =	vand.u32 $0x7, v3;
	v4 =	vand.u32 $0xFFFFFFF0, v57  }
0x22a: {  	v3 =	vor.u32 v3, v4  }
0x22b: {  	v4 =	vperm.xlane v3, v0;
	_ =	sdelay $0x1  }
0x22c: {  	v3 =	vperm.xlane v3, v2;
	v4 =	vadd.s32 v1, v4;
	_ =	sdelay $0x1  }
0x22d: {  	v3 =	vadd.s32 v1, v3;
	_ =	sdelay $0x1  }
0x22e: {  	s18 =	simm.s32 $0xA000  }
0x22f: {  	[tilespmem:s18], [sflag:$0x3] =	stream.indirect_vreg.gather [hbm4b:s2+s6], $0x80, v4, vm0, $0xb8;
	[tilespmem:$0x15000] =	vst v63  }
0x230: {  	s17 =	simm.s32 $0xA800  }
0x231: {  	[tilespmem:s17], [sflag:$0x3] =	stream.indirect_vreg.gather [hbm4b:s2+s6], $0x80, v3, vm0, $0xb8;
	[tilespmem:$0x15000] =	vst v63  }
0x232: {  	v3 =	vld [tilespmem:s4+$0x8A0];
	_ =	sdelay $0x4  }
0x233: {  	v58 =	vshll.u32 v3, $0x1  }
0x234: {  	v3 =	vand.u32 $0x7, v3;
	v4 =	vand.u32 $0xFFFFFFF0, v58  }
0x235: {  	v3 =	vor.u32 v3, v4  }
0x236: {  	v4 =	vperm.xlane v3, v0;
	_ =	sdelay $0x1  }
0x237: {  	v3 =	vperm.xlane v3, v2;
	v4 =	vadd.s32 v1, v4;
	_ =	sdelay $0x1  }
0x238: {  	v3 =	vadd.s32 v1, v3;
	_ =	sdelay $0x1  }
0x239: {  	s18 =	simm.s32 $0xB000  }
0x23a: {  	[tilespmem:s18], [sflag:$0x3] =	stream.indirect_vreg.gather [hbm4b:s2+s6], $0x80, v4, vm0, $0xb8;
	[tilespmem:$0x15000] =	vst v63  }
0x23b: {  	s17 =	simm.s32 $0xB800  }
0x23c: {  	[tilespmem:s17], [sflag:$0x3] =	stream.indirect_vreg.gather [hbm4b:s2+s6], $0x80, v3, vm0, $0xb8;
	[tilespmem:$0x15000] =	vst v63  }
0x23d: {  	v3 =	vld [tilespmem:s4+$0x8B0];
	_ =	sdelay $0x4  }
0x23e: {  	v59 =	vshll.u32 v3, $0x1  }
0x23f: {  	v3 =	vand.u32 $0x7, v3;
	v4 =	vand.u32 $0xFFFFFFF0, v59  }
0x240: {  	v3 =	vor.u32 v3, v4  }
0x241: {  	v4 =	vperm.xlane v3, v0;
	_ =	sdelay $0x1  }
0x242: {  	v3 =	vperm.xlane v3, v2;
	v4 =	vadd.s32 v1, v4;
	_ =	sdelay $0x1  }
0x243: {  	v3 =	vadd.s32 v1, v3;
	_ =	sdelay $0x1  }
0x244: {  	s18 =	simm.s32 $0xC000  }
0x245: {  	[tilespmem:s18], [sflag:$0x3] =	stream.indirect_vreg.gather [hbm4b:s2+s6], $0x80, v4, vm0, $0xb8;
	[tilespmem:$0x15000] =	vst v63  }
0x246: {  	s17 =	simm.s32 $0xC800  }
0x247: {  	[tilespmem:s17], [sflag:$0x3] =	stream.indirect_vreg.gather [hbm4b:s2+s6], $0x80, v3, vm0, $0xb8;
	[tilespmem:$0x15000] =	vst v63  }
0x248: {  	_ =	swait.ge [sflag:s19], $0x4000  }
0x249: {  	[sflag:s19] =	ssyncset.done $0x0  }
0x24a: {  	s17 =	simm.s32 $0xD000;
	[sflag:s19] =	ssyncadd.s32 $0xFFFFC000  }
0x24b: {  	[spmem:s12] =	stream.linear.scatter [tilespmem:s17], [sflag:$0x8], $0x4000, $0x38;
	[tilespmem:$0x15000] =	vst v63  }
0x24c: {  	_ =	swait.ge [sflag:s20], $0x4000  }
0x24d: {  	[sflag:s20] =	ssyncset.done $0x0  }
0x24e: {  	[sflag:s20] =	ssyncadd.s32 $0xFFFFC000  }
0x24f: {  	_ =	swait.ge [sflag:s29], $0x800  }
0x250: {  	[sflag:s29] =	ssyncset.done $0x0  }
0x251: {  	[sflag:s29] =	ssyncadd.s32 $0xFFFFF800  }
0x252: {  	[hbm:s26@s23], [sflag:s25] =	dma.strided [spmem:s30@s13], $0x800, s11, $0x10   }
0x253: {  	v3 =	vld [tilespmem:s4+$0xC80];
	_ =	sdelay $0x4  }
0x254: {  	v60 =	vshll.u32 v3, $0x1  }
0x255: {  	v3 =	vand.u32 $0x7, v3;
	v4 =	vand.u32 $0xFFFFFFF0, v60  }
0x256: {  	v3 =	vor.u32 v3, v4  }
0x257: {  	v4 =	vperm.xlane v3, v0;
	_ =	sdelay $0x1  }
0x258: {  	v3 =	vperm.xlane v3, v2;
	v4 =	vadd.s32 v1, v4;
	_ =	sdelay $0x1  }
0x259: {  	v3 =	vadd.s32 v1, v3;
	_ =	sdelay $0x2  }
0x25a: {  	[tilespmem:s17], [sflag:$0x4] =	stream.indirect_vreg.gather [hbm4b:s5+s6], $0x80, v4, vm0, $0xb8;
	[tilespmem:$0x15000] =	vst v63  }
0x25b: {  	s17 =	simm.s32 $0xD800  }
0x25c: {  	[tilespmem:s17], [sflag:$0x4] =	stream.indirect_vreg.gather [hbm4b:s5+s6], $0x80, v3, vm0, $0xb8;
	[tilespmem:$0x15000] =	vst v63  }
0x25d: {  	v3 =	vld [tilespmem:s4+$0xC90];
	_ =	sdelay $0x4  }
0x25e: {  	v61 =	vshll.u32 v3, $0x1  }
0x25f: {  	v3 =	vand.u32 $0x7, v3;
	v4 =	vand.u32 $0xFFFFFFF0, v61  }
0x260: {  	v3 =	vor.u32 v3, v4  }
0x261: {  	v4 =	vperm.xlane v3, v0;
	_ =	sdelay $0x1  }
0x262: {  	v3 =	vperm.xlane v3, v2;
	v4 =	vadd.s32 v1, v4;
	_ =	sdelay $0x1  }
0x263: {  	v3 =	vadd.s32 v1, v3;
	_ =	sdelay $0x1  }
0x264: {  	s18 =	simm.s32 $0xE000  }
0x265: {  	[tilespmem:s18], [sflag:$0x4] =	stream.indirect_vreg.gather [hbm4b:s5+s6], $0x80, v4, vm0, $0xb8;
	[tilespmem:$0x15000] =	vst v63  }
0x266: {  	s18 =	simm.s32 $0xE800  }
0x267: {  	[tilespmem:s18], [sflag:$0x4] =	stream.indirect_vreg.gather [hbm4b:s5+s6], $0x80, v3, vm0, $0xb8;
	[tilespmem:$0x15000] =	vst v63  }
0x268: {  	v3 =	vld [tilespmem:s4+$0xCA0];
	_ =	sdelay $0x4  }
0x269: {  	v62 =	vshll.u32 v3, $0x1  }
0x26a: {  	v3 =	vand.u32 $0x7, v3;
	v4 =	vand.u32 $0xFFFFFFF0, v62  }
0x26b: {  	v3 =	vor.u32 v3, v4  }
0x26c: {  	v4 =	vperm.xlane v3, v0;
	_ =	sdelay $0x1  }
0x26d: {  	v3 =	vperm.xlane v3, v2;
	v4 =	vadd.s32 v1, v4;
	_ =	sdelay $0x1  }
0x26e: {  	v3 =	vadd.s32 v1, v3;
	_ =	sdelay $0x1  }
0x26f: {  	s18 =	simm.s32 $0xF000  }
0x270: {  	[tilespmem:s18], [sflag:$0x4] =	stream.indirect_vreg.gather [hbm4b:s5+s6], $0x80, v4, vm0, $0xb8;
	[tilespmem:$0x15000] =	vst v63  }
0x271: {  	s18 =	simm.s32 $0xF800  }
0x272: {  	[tilespmem:s18], [sflag:$0x4] =	stream.indirect_vreg.gather [hbm4b:s5+s6], $0x80, v3, vm0, $0xb8;
	[tilespmem:$0x15000] =	vst v63  }
0x273: {  	v3 =	vld [tilespmem:s4+$0xCB0];
	_ =	sdelay $0x4  }
0x274: {  	v63 =	vshll.u32 v3, $0x1  }
0x275: {  	v3 =	vand.u32 $0x7, v3;
	v4 =	vand.u32 $0xFFFFFFF0, v63  }
0x276: {  	v3 =	vor.u32 v3, v4  }
0x277: {  	v4 =	vperm.xlane v3, v0;
	_ =	sdelay $0x1  }
0x278: {  	v3 =	vperm.xlane v3, v2;
	v4 =	vadd.s32 v1, v4;
	_ =	sdelay $0x1  }
0x279: {  	p0 =	sne.s32 s7, $0xD00;
	v3 =	vadd.s32 v1, v3  }
.Ltmp0:
0x27a: {  	s28 =	simm.s32 $0x1000;
	s7 =	sadd.s32 $0x100, s7;
	(pc) =	sbr.rel @p0 .LBB2_2-.Ltmp0, $4  }
0x27b: {  	s8 =	simm.s32 $0x5000;
	s16 =	simm.s32 $0x9000;
	s18 =	simm.s32 $0x10000  }
0x27c: {  	[tilespmem:s18], [sflag:$0x4] =	stream.indirect_vreg.gather [hbm4b:s5+s6], $0x80, v4, vm0, $0xb8;
	[tilespmem:$0x15000] =	vst v63  }
0x27d: {  	s15 =	simm.s32 $0xD000;
	s26 =	sadd.s32 $0x2000, s26;
	s18 =	simm.s32 $0x10800  }
0x27e: {  	[tilespmem:s18], [sflag:$0x4] =	stream.indirect_vreg.gather [hbm4b:s5+s6], $0x80, v3, vm0, $0xb8;
	[tilespmem:$0x15000] =	vst v63  }
0x27f: {  	s4 =	simm.s32 $0x1  }
0x280: {  	_ =	swait.ge [sflag:s4], $0x4000  }
0x281: {  	[sflag:s4] =	ssyncset.done $0x0  }
0x282: {  	s26 =	simm.s32 $0x5;
	[sflag:s4] =	ssyncadd.s32 $0xFFFFC000  }
0x283: {  	[spmem:s12] =	stream.linear.scatter [tilespmem:s28], [sflag:$0x5], $0x4000, $0x38;
	[tilespmem:$0x15000] =	vst v63  }
0x284: {  	_ =	swait.ge [sflag:s26], $0x4000  }
0x285: {  	[sflag:s26] =	ssyncset.done $0x0  }
0x286: {  	[sflag:s26] =	ssyncadd.s32 $0xFFFFC000  }
0x287: {  	_ =	swait.ge [sflag:s21], $0x800  }
0x288: {  	[sflag:s21] =	ssyncset.done $0x0  }
0x289: {  	s18 =	simm.s32 $0x2;
	s7 =	rddreg [dreg:$0x10];
	[sflag:s21] =	ssyncadd.s32 $0xFFFFF800  }
0x28a: {  	[hbm:s7@s23], [sflag:s31] =	dma.strided [spmem:s30@s13], $0x800, s11, $0x10   }
0x28b: {  	_ =	swait.ge [sflag:s18], $0x4000  }
0x28c: {  	[sflag:s18] =	ssyncset.done $0x0  }
0x28d: {  	s26 =	simm.s32 $0x6;
	[sflag:s18] =	ssyncadd.s32 $0xFFFFC000  }
0x28e: {  	[spmem:s12] =	stream.linear.scatter [tilespmem:s8], [sflag:$0x6], $0x4000, $0x38;
	[tilespmem:$0x15000] =	vst v63  }
0x28f: {  	_ =	swait.ge [sflag:s26], $0x4000  }
0x290: {  	[sflag:s26] =	ssyncset.done $0x0  }
0x291: {  	[sflag:s26] =	ssyncadd.s32 $0xFFFFC000  }
0x292: {  	_ =	swait.ge [sflag:s10], $0x800  }
0x293: {  	[sflag:s10] =	ssyncset.done $0x0  }
0x294: {  	s8 =	simm.s32 $0x3;
	s7 =	rddreg [dreg:$0x11];
	[sflag:s10] =	ssyncadd.s32 $0xFFFFF800  }
0x295: {  	[hbm:s7@s23], [sflag:s3] =	dma.strided [spmem:s30@s13], $0x800, s11, $0x10   }
0x296: {  	_ =	swait.ge [sflag:s8], $0x4000  }
0x297: {  	[sflag:s8] =	ssyncset.done $0x0  }
0x298: {  	[sflag:s8] =	ssyncadd.s32 $0xFFFFC000  }
0x299: {  	[spmem:s12] =	stream.linear.scatter [tilespmem:s16], [sflag:$0x7], $0x4000, $0x38;
	[tilespmem:$0x15000] =	vst v63  }
0x29a: {  	s16 =	simm.s32 $0x7  }
0x29b: {  	_ =	swait.ge [sflag:s16], $0x4000  }
0x29c: {  	[sflag:s16] =	ssyncset.done $0x0  }
0x29d: {  	[sflag:s16] =	ssyncadd.s32 $0xFFFFC000  }
0x29e: {  	_ =	swait.ge [sflag:s22], $0x800  }
0x29f: {  	[sflag:s22] =	ssyncset.done $0x0  }
0x2a0: {  	s18 =	rddreg [dreg:$0x12];
	[sflag:s22] =	ssyncadd.s32 $0xFFFFF800  }
0x2a1: {  	[hbm:s18@s23], [sflag:s24] =	dma.strided [spmem:s30@s13], $0x800, s11, $0x10   }
0x2a2: {  	_ =	swait.ge [sflag:s19], $0x4000  }
0x2a3: {  	[sflag:s19] =	ssyncset.done $0x0  }
0x2a4: {  	[sflag:s19] =	ssyncadd.s32 $0xFFFFC000  }
0x2a5: {  	[spmem:s12] =	stream.linear.scatter [tilespmem:s15], [sflag:$0x8], $0x4000, $0x38;
	[tilespmem:$0x15000] =	vst v63  }
0x2a6: {  	_ =	swait.ge [sflag:s20], $0x4000  }
0x2a7: {  	[sflag:s20] =	ssyncset.done $0x0  }
0x2a8: {  	[sflag:s20] =	ssyncadd.s32 $0xFFFFC000  }
0x2a9: {  	_ =	swait.ge [sflag:s29], $0x800  }
0x2aa: {  	[sflag:s29] =	ssyncset.done $0x0  }
0x2ab: {  	s24 =	rddreg [dreg:$0x13];
	[sflag:s29] =	ssyncadd.s32 $0xFFFFF800  }
0x2ac: {  	[hbm:s24@s23], [sflag:s25] =	dma.strided [spmem:s30@s13], $0x800, s11, $0x10   }
0x2ad: {  	_ =	swait.ge [sflag:s21], $0x800  }
0x2ae: {  	[sflag:s21] =	ssyncset.done $0x0  }
0x2af: {  	[sflag:s21] =	ssyncadd.s32 $0xFFFFF800  }
0x2b0: {  	_ =	swait.ge [sflag:s10], $0x800  }
0x2b1: {  	[sflag:s10] =	ssyncset.done $0x0  }
0x2b2: {  	[sflag:s10] =	ssyncadd.s32 $0xFFFFF800  }
0x2b3: {  	_ =	swait.ge [sflag:s22], $0x800  }
0x2b4: {  	[sflag:s22] =	ssyncset.done $0x0  }
0x2b5: {  	[sflag:s22] =	ssyncadd.s32 $0xFFFFF800  }
0x2b6: {  	_ =	swait.ge [sflag:s29], $0x800  }
0x2b7: {  	s25 =	rddreg [dreg:$0x16]  }
0x2b8: {  	s26 =	rddreg [dreg:$0x14];
	s4 =	sadd.s32 $0x1, s25  }
0x2b9: {  	p0 =	sne.s32 s4, s26  }
.Ltmp1:
0x2ba: {  	_ = 	snop;
	(pc) =	sbr.rel @p0 .LBB2_1-.Ltmp1, $4  }
0x2bb: {  	s28 =	simm.s32 $0x3800;
	s31 =	simm.s32 $0x4800  }
0x2bc: {  	s8 =	simm.s32 $0x6000;
	s16 =	simm.s32 $0x1800;
	s15 =	simm.s32 $0xE000  }
0x2bd: {  	s24 =	simm.s32 $0x2000;
	s30 =	simm.s32 $0x4000;
	[sflag:s29] =	ssyncset.done $0x0  }
0x2be: {  	[sflag:s29] =	ssyncadd.s32 $0xFFFFF800;
	s25 =	simm.s32 $0x2800;
	s26 =	simm.s32 $0x3000  }
0x2bf: {  	_ =	sfence.sel $0x180000  }
0x2c0: {  	[bflag:$0x0] =	sbarrier.arrive $0xFFFF  }
0x2c1: {  	_ =	strace $0x90000047  }
0x2c2: {  	s0 =	stileid.u32;
	[bflag:$0x2] =	sbarrier.arrive $0xFFFF  }
0x2c3: {  	p0 =	sne.s32 s0, $0x0;
	s0 =	rddreg [dreg:$0x7]  }
0x2c4: {  	s0 =	sadd.s32 @!p0 $0x100000, s0  }
0x2c5: {  	[sflag:s0] =	ssyncadd.tile.s32 @!p0 $0x1;
	_ =	shalt  }
.Lfunc_end2:
_tile_overlayer_lowered:
.L_overlay_start_2:
0x2c6: {  	(tag) =	ssettag $0x2  }
0x2c7: {  	s0 =	rddreg [dreg:$0x0];
	s2 =	stileid.u32  }
0x2c8: {  	s1 =	rddreg [dreg:$0x1];
	p0 =	sne.s32 s2, $0x0  }
0x2c9: {  	s3 =	rddreg [dreg:$0x2];
	[bflag:$0x3] =	sbarrier.arrive $0xFFFF;
	s2 =	simm.s32 @!p0 $0x1C0D  }
0x2ca: {  	[timem:s3], [sflag:s2] =	dma.local @!p0 [hbm:s0], s1  }
0x2cb: {  	s0 =	simm.s32 @!p0 $0xD  }
0x2cc: {  	_ =	swait.ge @!p0 [sflag:s0], s1  }
0x2cd: {  	s1 =	ssub.s32 @!p0 $0x0, s1;
	[sflag:s0] =	ssyncset.done @!p0 $0x0  }
0x2ce: {  	[sflag:s0] =	ssyncadd.s32 @!p0 s1  }
0x2cf: {  	[bflag:$0x3] =	sbarrier.arrive $0xFFFF  }
0x2d0: {  	_ =	shalt  }

</sc_bundles>
